<compile_context>
chip_gen: v7x
topology: tpu7x:2x2x1
jax: 0.10.2.dev20260603
libtpu: 0.0.44.dev20260713+nightly
codegen_flags: <defaults>
</compile_context>

<pallas_src>
import functools

import jax
import jax.numpy as jnp
from jax import lax
from jax.experimental import pallas as pl
from jax.experimental.pallas import tpu as pltpu
from jax.experimental.pallas import tpu_sc as plsc

VOCAB = 1000000
WIDTH = 64
HALF = 32
B_TOTAL = 16384 * 20
NUM_WORKERS = 32
B_PER_W = B_TOTAL // NUM_WORKERS
CHUNK = 128
N_LCHUNKS = B_PER_W // CHUNK
N_CHUNKS = 2 * N_LCHUNKS
NBUF = 8
KD = 4

TBLK = 2048


def _transpose_body(src_ref, dst_ref):
    x = src_ref[...]
    xt = jnp.transpose(x, (1, 0))
    xp = jnp.reshape(xt, (TBLK // 2, 2, WIDTH))
    dst_ref[:, :WIDTH] = xp[:, 0, :]
    dst_ref[:, WIDTH:] = xp[:, 1, :]


_tc_transpose = pl.pallas_call(
    _transpose_body,
    grid=((VOCAB + TBLK - 1) // TBLK,),
    in_specs=[pl.BlockSpec((WIDTH, TBLK), lambda i: (0, i))],
    out_specs=pl.BlockSpec((TBLK // 2, 2 * WIDTH), lambda i: (i, 0)),
    out_shape=jax.ShapeDtypeStruct((VOCAB // 2, 2 * WIDTH), jnp.float32),
)

_mesh = plsc.VectorSubcoreMesh(core_axis_name="c", subcore_axis_name="s")


@functools.partial(
    pl.kernel,
    out_type=jax.ShapeDtypeStruct((B_TOTAL, 2, HALF), jnp.float32),
    mesh=_mesh,
    scratch_types=[
        pltpu.VMEM((B_PER_W,), jnp.int32),
        pltpu.VMEM((B_PER_W,), jnp.int32),
        pltpu.VMEM((B_PER_W,), jnp.int32),
        pltpu.VMEM((NBUF, CHUNK, HALF), jnp.float32),
        pltpu.SemaphoreType.DMA,
        pltpu.SemaphoreType.DMA,
    ],
    compiler_params=pltpu.CompilerParams(use_tc_tiling_on_sc=False),
)
def _emb_gather(idx_hbm, table_hbm, out_hbm, idx_v, pe_v, po_v, rows_v,
                sem_g, sem_w):
    num_cores = 2
    wid = lax.axis_index("s") * num_cores + lax.axis_index("c")
    base = wid * B_PER_W
    pltpu.sync_copy(idx_hbm.at[wid], idx_v)

    def expand(g, _):
        v = idx_v[pl.ds(g * 16, 16)]
        d = v * 2
        pe_v[pl.ds(g * 16, 16)] = d
        po_v[pl.ds(g * 16, 16)] = d + 1
        return 0

    lax.fori_loop(0, B_PER_W // 16, expand, 0)

    def fire_gather(b, c):
        src = pe_v if b % 2 == 0 else po_v
        pltpu.async_copy(
            table_hbm.at[src.at[pl.ds((c // 2) * CHUNK, CHUNK)]],
            rows_v.at[b], sem_g)

    def wait_gather(b):
        pltpu.make_async_copy(
            table_hbm.at[pl.ds(0, CHUNK)], rows_v.at[b], sem_g).wait()

    def fire_write(b, c):
        pltpu.async_copy(
            rows_v.at[b],
            out_hbm.at[pl.ds(base + (c // 2) * CHUNK, CHUNK), b % 2],
            sem_w)

    def wait_write(b):
        pltpu.make_async_copy(
            rows_v.at[b], out_hbm.at[pl.ds(base, CHUNK), 0], sem_w).wait()

    for b in range(NBUF):
        fire_gather(b, b)
        if b >= KD:
            bd = b - KD
            wait_gather(bd)
            fire_write(bd, bd)

    def body(gi, _):
        for b in range(NBUF):
            c = gi * NBUF + b
            wait_write(b)
            fire_gather(b, c)
            bd = (b - KD) % NBUF
            wait_gather(bd)
            fire_write(bd, c - KD)
        return 0

    lax.fori_loop(1, N_CHUNKS // NBUF, body, 0)

    for c in range(N_CHUNKS - KD, N_CHUNKS):
        b = c % NBUF
        wait_gather(b)
        fire_write(b, c)
    for b in range(NBUF):
        wait_write(b)


def kernel(inputs, embeddings):
    table_lin = _tc_transpose(jnp.transpose(embeddings))
    table32 = jnp.reshape(table_lin, (2 * VOCAB, HALF))
    idx2 = jnp.reshape(inputs.astype(jnp.int32), (NUM_WORKERS, B_PER_W))
    out = _emb_gather(idx2, table32)
    return jnp.reshape(out, inputs.shape + (WIDTH,))

# --- scband reference (transcript-rebuilt; emitter-appended) ---
"""Pipeline reference for scband-on-device-embedding-72112500900307 (READ-ONLY COPY).

The authoritative reference and input builder live on the scoring server;
editing this copy changes nothing except your own understanding.
"""

import jax, jax.numpy as jnp
import numpy as np

VOCAB = 1000000
WIDTH = 64

def setup_inputs(seed: int = 0) -> dict:
    key = jax.random.key(seed)
    k1, k2 = jax.random.split(key)
    inputs = jax.random.randint(k1, (16384, 20), 0, VOCAB, dtype=jnp.int64 if jax.config.jax_enable_x64 else jnp.int32)
    embeddings = jax.random.normal(k2, (VOCAB, WIDTH), dtype=jnp.float32) * (WIDTH ** -0.5)
    return {"inputs": inputs, "embeddings": embeddings}

def reference(inputs, embeddings):
    # mode='embedding', use_one_hot=False, scale=False
    flat_inputs = jnp.reshape(inputs, (-1,))
    emb = jnp.take(embeddings, flat_inputs, axis=0)
    emb = jnp.reshape(emb, inputs.shape + (WIDTH,))
    return emb

if __name__ == "__main__":
    import jax
    _d = setup_inputs()
    print(jax.jit(kernel)(*tuple(_d.values())))

</pallas_src>

<mosaic_0001>
#map = affine_map<(d0, d1) -> (0, 0)>
#map1 = affine_map<(d0, d1) -> (0, 0, 0)>
module attributes {stable_mosaic.version = 14 : i64} {
  func.func @_emb_gather(%arg0: i32, %arg1: i32, %arg2: memref<32x10240xi32, #tpu.memory_space<hbm>>, %arg3: memref<2000000x32xf32, #tpu.memory_space<hbm>>, %arg4: memref<327680x2x32xf32, #tpu.memory_space<hbm>>, %arg5: memref<10240xi32, #tpu.memory_space<vmem>>, %arg6: memref<10240xi32, #tpu.memory_space<vmem>>, %arg7: memref<10240xi32, #tpu.memory_space<vmem>>, %arg8: memref<8x128x32xf32, #tpu.memory_space<vmem>>, %arg9: memref<!tpu.dma_semaphore, #tpu.memory_space<semaphore_mem>>, %arg10: memref<!tpu.dma_semaphore, #tpu.memory_space<semaphore_mem>>) attributes {dimension_semantics = [#tpu.dimension_semantics<core_parallel>, #tpu.dimension_semantics<subcore_parallel>], iteration_bounds = array<i64: 2, 16>, scalar_prefetch = 0 : i64, scratch_operands = 6 : i64, tpu.core_type = #tpu.core_type<sc_vector_subcore>, window_params = [{transform_indices = #map}, {transform_indices = #map}, {transform_indices = #map1}]} {
    %mul3A = arith.constant 2 : i32
    %mul3A_0 = arith.muli %arg1, %mul3A : i32
    %add3A = arith.addi %mul3A_0, %arg0 : i32
    %mul3A_1 = arith.constant 10240 : i32
    %mul3A_2 = arith.muli %add3A, %mul3A_1 : i32
    "tpu.region"() ({
      %run_scoped3A = tpu.sem_alloc : memref<!tpu.dma_semaphore, #tpu.memory_space<semaphore_mem>>
      %dma_start3A_486 = arith.constant 0 : i32
      %dma_start3A_487 = tpu.memref_slice %arg2[%add3A, %dma_start3A_486] : memref<32x10240xi32, #tpu.memory_space<hbm>> -> memref<1x10240xi32, #tpu.memory_space<hbm>>
      %dma_start3A_488 = tpu.memref_squeeze %dma_start3A_487 : memref<1x10240xi32, #tpu.memory_space<hbm>> -> memref<10240xi32, #tpu.memory_space<hbm>>
      %dma_start3A_489 = arith.constant 0 : i32
      %dma_start3A_490 = tpu.memref_slice %arg2[%add3A, %dma_start3A_489] : memref<32x10240xi32, #tpu.memory_space<hbm>> -> memref<1x10240xi32, #tpu.memory_space<hbm>>
      %dma_start3A_491 = tpu.memref_squeeze %dma_start3A_490 : memref<1x10240xi32, #tpu.memory_space<hbm>> -> memref<10240xi32, #tpu.memory_space<hbm>>
      tpu.enqueue_dma source(%dma_start3A_491 : memref<10240xi32, #tpu.memory_space<hbm>>) target(%arg5 : memref<10240xi32, #tpu.memory_space<vmem>>) target_semaphore(%run_scoped3A : memref<!tpu.dma_semaphore, #tpu.memory_space<semaphore_mem>>)
      %dma_wait3A_492 = arith.constant 0 : i32
      %dma_wait3A_493 = tpu.memref_slice %arg2[%add3A, %dma_wait3A_492] : memref<32x10240xi32, #tpu.memory_space<hbm>> -> memref<1x10240xi32, #tpu.memory_space<hbm>>
      %dma_wait3A_494 = tpu.memref_squeeze %dma_wait3A_493 : memref<1x10240xi32, #tpu.memory_space<hbm>> -> memref<10240xi32, #tpu.memory_space<hbm>>
      %dma_wait3A_495 = arith.constant 0 : i32
      %dma_wait3A_496 = tpu.memref_slice %arg2[%add3A, %dma_wait3A_495] : memref<32x10240xi32, #tpu.memory_space<hbm>> -> memref<1x10240xi32, #tpu.memory_space<hbm>>
      %dma_wait3A_497 = tpu.memref_squeeze %dma_wait3A_496 : memref<1x10240xi32, #tpu.memory_space<hbm>> -> memref<10240xi32, #tpu.memory_space<hbm>>
      tpu.wait_dma2 semaphore(%run_scoped3A : memref<!tpu.dma_semaphore, #tpu.memory_space<semaphore_mem>>) src(%dma_wait3A_497 : memref<10240xi32, #tpu.memory_space<hbm>>) dst(%arg5 : memref<10240xi32, #tpu.memory_space<vmem>>)
      tpu.yield
    }) : () -> ()
    %scan3A = arith.constant 0 : i32
    %scan3A_3 = arith.constant 0 : i32
    %scan3A_4 = arith.constant 640 : i32
    %scan3A_5 = arith.addi %scan3A_3, %scan3A_4 : i32
    %scan3A_6 = arith.constant 1 : i32
    %scan3A_7 = scf.for %scan3A_486 = %scan3A_3 to %scan3A_5 step %scan3A_6 iter_args(%scan3A_487 = %scan3A) -> (i32)  : i32 {
      %mul3A_488 = arith.constant 16 : i32
      %mul3A_489 = arith.muli %scan3A_486, %mul3A_488 : i32
      %get3A = arith.index_cast %mul3A_489 : i32 to index
      %get3A_490 = tpu.vector_load %arg5[%get3A] {strides = array<i32>} : memref<10240xi32, #tpu.memory_space<vmem>>, vector<16xi32>,
      %get3A_491 = vector.shape_cast %get3A_490 : vector<16xi32> to vector<16xi32>
      %mul3A_492 = arith.constant 2 : i32
      %mul3A_493 = vector.broadcast %mul3A_492 : i32 to vector<16xi32>
      %mul3A_494 = arith.muli %get3A_491, %mul3A_493 : vector<16xi32>
      %mul3A_495 = arith.constant 16 : i32
      %mul3A_496 = arith.muli %scan3A_486, %mul3A_495 : i32
      %swap3A = arith.index_cast %mul3A_496 : i32 to index
      %swap3A_497 = tpu.vector_load %arg6[%swap3A] {strides = array<i32>} : memref<10240xi32, #tpu.memory_space<vmem>>, vector<16xi32>,
      %swap3A_498 = vector.shape_cast %swap3A_497 : vector<16xi32> to vector<16xi32>
      %swap3A_499 = vector.shape_cast %mul3A_494 : vector<16xi32> to vector<16xi32>
      tpu.vector_store %arg6[%swap3A], %swap3A_499 {strides = array<i32>} : memref<10240xi32, #tpu.memory_space<vmem>>, vector<16xi32>,
      %add3A_500 = arith.constant 1 : i32
      %add3A_501 = vector.broadcast %add3A_500 : i32 to vector<16xi32>
      %add3A_502 = arith.addi %mul3A_494, %add3A_501 : vector<16xi32>
      %mul3A_503 = arith.constant 16 : i32
      %mul3A_504 = arith.muli %scan3A_486, %mul3A_503 : i32
      %swap3A_505 = arith.index_cast %mul3A_504 : i32 to index
      %swap3A_506 = tpu.vector_load %arg7[%swap3A_505] {strides = array<i32>} : memref<10240xi32, #tpu.memory_space<vmem>>, vector<16xi32>,
      %swap3A_507 = vector.shape_cast %swap3A_506 : vector<16xi32> to vector<16xi32>
      %swap3A_508 = vector.shape_cast %add3A_502 : vector<16xi32> to vector<16xi32>
      tpu.vector_store %arg7[%swap3A_505], %swap3A_508 {strides = array<i32>} : memref<10240xi32, #tpu.memory_space<vmem>>, vector<16xi32>,
      %scan3A_509 = arith.constant 0 : i32
      scf.yield %scan3A_509 : i32
    }
    %scan3A_8 = arith.constant 640 : i32
    %dma_start3A = arith.constant 0 : i32
    %dma_start3A_9 = arith.constant 0 : i32
    %dma_start3A_10 = arith.constant 0 : i32
    %dma_start3A_11 = tpu.memref_slice %arg8[%dma_start3A, %dma_start3A_9, %dma_start3A_10] : memref<8x128x32xf32, #tpu.memory_space<vmem>> -> memref<1x128x32xf32, #tpu.memory_space<vmem>>
    %dma_start3A_12 = tpu.memref_squeeze %dma_start3A_11 : memref<1x128x32xf32, #tpu.memory_space<vmem>> -> memref<128x32xf32, #tpu.memory_space<vmem>>
    %dma_start3A_13 = arith.constant 0 : i32
    %dma_start3A_14 = tpu.memref_slice %arg6[%dma_start3A_13] : memref<10240xi32, #tpu.memory_space<vmem>> -> memref<128xi32, #tpu.memory_space<vmem>>
    %dma_start3A_15 = arith.constant 0 : i32
    %dma_start3A_16 = arith.constant 0 : i32
    %dma_start3A_17 = tpu.memref_slice %arg3[%dma_start3A_15, %dma_start3A_16] : memref<2000000x32xf32, #tpu.memory_space<hbm>> -> memref<2000000x32xf32, #tpu.memory_space<hbm>>
    tpu.enqueue_indirect_dma source(%dma_start3A_17 : memref<2000000x32xf32, #tpu.memory_space<hbm>>) target(%dma_start3A_12 : memref<128x32xf32, #tpu.memory_space<vmem>>) offsets(%dma_start3A_14 : memref<128xi32, #tpu.memory_space<vmem>>) semaphore(%arg9 : memref<!tpu.dma_semaphore, #tpu.memory_space<semaphore_mem>>)
    %dma_start3A_18 = arith.constant 1 : i32
    %dma_start3A_19 = arith.constant 0 : i32
    %dma_start3A_20 = arith.constant 0 : i32
    %dma_start3A_21 = tpu.memref_slice %arg8[%dma_start3A_18, %dma_start3A_19, %dma_start3A_20] : memref<8x128x32xf32, #tpu.memory_space<vmem>> -> memref<1x128x32xf32, #tpu.memory_space<vmem>>
    %dma_start3A_22 = tpu.memref_squeeze %dma_start3A_21 : memref<1x128x32xf32, #tpu.memory_space<vmem>> -> memref<128x32xf32, #tpu.memory_space<vmem>>
    %dma_start3A_23 = arith.constant 0 : i32
    %dma_start3A_24 = tpu.memref_slice %arg7[%dma_start3A_23] : memref<10240xi32, #tpu.memory_space<vmem>> -> memref<128xi32, #tpu.memory_space<vmem>>
    %dma_start3A_25 = arith.constant 0 : i32
    %dma_start3A_26 = arith.constant 0 : i32
    %dma_start3A_27 = tpu.memref_slice %arg3[%dma_start3A_25, %dma_start3A_26] : memref<2000000x32xf32, #tpu.memory_space<hbm>> -> memref<2000000x32xf32, #tpu.memory_space<hbm>>
    tpu.enqueue_indirect_dma source(%dma_start3A_27 : memref<2000000x32xf32, #tpu.memory_space<hbm>>) target(%dma_start3A_22 : memref<128x32xf32, #tpu.memory_space<vmem>>) offsets(%dma_start3A_24 : memref<128xi32, #tpu.memory_space<vmem>>) semaphore(%arg9 : memref<!tpu.dma_semaphore, #tpu.memory_space<semaphore_mem>>)
    %dma_start3A_28 = arith.constant 2 : i32
    %dma_start3A_29 = arith.constant 0 : i32
    %dma_start3A_30 = arith.constant 0 : i32
    %dma_start3A_31 = tpu.memref_slice %arg8[%dma_start3A_28, %dma_start3A_29, %dma_start3A_30] : memref<8x128x32xf32, #tpu.memory_space<vmem>> -> memref<1x128x32xf32, #tpu.memory_space<vmem>>
    %dma_start3A_32 = tpu.memref_squeeze %dma_start3A_31 : memref<1x128x32xf32, #tpu.memory_space<vmem>> -> memref<128x32xf32, #tpu.memory_space<vmem>>
    %dma_start3A_33 = arith.constant 128 : i32
    %dma_start3A_34 = tpu.memref_slice %arg6[%dma_start3A_33] : memref<10240xi32, #tpu.memory_space<vmem>> -> memref<128xi32, #tpu.memory_space<vmem>>
    %dma_start3A_35 = arith.constant 0 : i32
    %dma_start3A_36 = arith.constant 0 : i32
    %dma_start3A_37 = tpu.memref_slice %arg3[%dma_start3A_35, %dma_start3A_36] : memref<2000000x32xf32, #tpu.memory_space<hbm>> -> memref<2000000x32xf32, #tpu.memory_space<hbm>>
    tpu.enqueue_indirect_dma source(%dma_start3A_37 : memref<2000000x32xf32, #tpu.memory_space<hbm>>) target(%dma_start3A_32 : memref<128x32xf32, #tpu.memory_space<vmem>>) offsets(%dma_start3A_34 : memref<128xi32, #tpu.memory_space<vmem>>) semaphore(%arg9 : memref<!tpu.dma_semaphore, #tpu.memory_space<semaphore_mem>>)
    %dma_start3A_38 = arith.constant 3 : i32
    %dma_start3A_39 = arith.constant 0 : i32
    %dma_start3A_40 = arith.constant 0 : i32
    %dma_start3A_41 = tpu.memref_slice %arg8[%dma_start3A_38, %dma_start3A_39, %dma_start3A_40] : memref<8x128x32xf32, #tpu.memory_space<vmem>> -> memref<1x128x32xf32, #tpu.memory_space<vmem>>
    %dma_start3A_42 = tpu.memref_squeeze %dma_start3A_41 : memref<1x128x32xf32, #tpu.memory_space<vmem>> -> memref<128x32xf32, #tpu.memory_space<vmem>>
    %dma_start3A_43 = arith.constant 128 : i32
    %dma_start3A_44 = tpu.memref_slice %arg7[%dma_start3A_43] : memref<10240xi32, #tpu.memory_space<vmem>> -> memref<128xi32, #tpu.memory_space<vmem>>
    %dma_start3A_45 = arith.constant 0 : i32
    %dma_start3A_46 = arith.constant 0 : i32
    %dma_start3A_47 = tpu.memref_slice %arg3[%dma_start3A_45, %dma_start3A_46] : memref<2000000x32xf32, #tpu.memory_space<hbm>> -> memref<2000000x32xf32, #tpu.memory_space<hbm>>
    tpu.enqueue_indirect_dma source(%dma_start3A_47 : memref<2000000x32xf32, #tpu.memory_space<hbm>>) target(%dma_start3A_42 : memref<128x32xf32, #tpu.memory_space<vmem>>) offsets(%dma_start3A_44 : memref<128xi32, #tpu.memory_space<vmem>>) semaphore(%arg9 : memref<!tpu.dma_semaphore, #tpu.memory_space<semaphore_mem>>)
    %dma_start3A_48 = arith.constant 4 : i32
    %dma_start3A_49 = arith.constant 0 : i32
    %dma_start3A_50 = arith.constant 0 : i32
    %dma_start3A_51 = tpu.memref_slice %arg8[%dma_start3A_48, %dma_start3A_49, %dma_start3A_50] : memref<8x128x32xf32, #tpu.memory_space<vmem>> -> memref<1x128x32xf32, #tpu.memory_space<vmem>>
    %dma_start3A_52 = tpu.memref_squeeze %dma_start3A_51 : memref<1x128x32xf32, #tpu.memory_space<vmem>> -> memref<128x32xf32, #tpu.memory_space<vmem>>
    %dma_start3A_53 = arith.constant 256 : i32
    %dma_start3A_54 = tpu.memref_slice %arg6[%dma_start3A_53] : memref<10240xi32, #tpu.memory_space<vmem>> -> memref<128xi32, #tpu.memory_space<vmem>>
    %dma_start3A_55 = arith.constant 0 : i32
    %dma_start3A_56 = arith.constant 0 : i32
    %dma_start3A_57 = tpu.memref_slice %arg3[%dma_start3A_55, %dma_start3A_56] : memref<2000000x32xf32, #tpu.memory_space<hbm>> -> memref<2000000x32xf32, #tpu.memory_space<hbm>>
    tpu.enqueue_indirect_dma source(%dma_start3A_57 : memref<2000000x32xf32, #tpu.memory_space<hbm>>) target(%dma_start3A_52 : memref<128x32xf32, #tpu.memory_space<vmem>>) offsets(%dma_start3A_54 : memref<128xi32, #tpu.memory_space<vmem>>) semaphore(%arg9 : memref<!tpu.dma_semaphore, #tpu.memory_space<semaphore_mem>>)
    %dma_wait3A = arith.constant 0 : i32
    %dma_wait3A_58 = arith.constant 0 : i32
    %dma_wait3A_59 = arith.constant 0 : i32
    %dma_wait3A_60 = tpu.memref_slice %arg8[%dma_wait3A, %dma_wait3A_58, %dma_wait3A_59] : memref<8x128x32xf32, #tpu.memory_space<vmem>> -> memref<1x128x32xf32, #tpu.memory_space<vmem>>
    %dma_wait3A_61 = tpu.memref_squeeze %dma_wait3A_60 : memref<1x128x32xf32, #tpu.memory_space<vmem>> -> memref<128x32xf32, #tpu.memory_space<vmem>>
    %dma_wait3A_62 = arith.constant 0 : i32
    %dma_wait3A_63 = arith.constant 0 : i32
    %dma_wait3A_64 = tpu.memref_slice %arg3[%dma_wait3A_62, %dma_wait3A_63] : memref<2000000x32xf32, #tpu.memory_space<hbm>> -> memref<128x32xf32, #tpu.memory_space<hbm>>
    %dma_wait3A_65 = arith.constant 0 : i32
    %dma_wait3A_66 = arith.constant 0 : i32
    %dma_wait3A_67 = tpu.memref_slice %arg8[%dma_wait3A, %dma_wait3A_65, %dma_wait3A_66] : memref<8x128x32xf32, #tpu.memory_space<vmem>> -> memref<1x128x32xf32, #tpu.memory_space<vmem>>
    %dma_wait3A_68 = tpu.memref_squeeze %dma_wait3A_67 : memref<1x128x32xf32, #tpu.memory_space<vmem>> -> memref<128x32xf32, #tpu.memory_space<vmem>>
    %dma_wait3A_69 = arith.constant 0 : i32
    %dma_wait3A_70 = arith.constant 0 : i32
    %dma_wait3A_71 = tpu.memref_slice %arg3[%dma_wait3A_69, %dma_wait3A_70] : memref<2000000x32xf32, #tpu.memory_space<hbm>> -> memref<128x32xf32, #tpu.memory_space<hbm>>
    tpu.wait_dma2 semaphore(%arg9 : memref<!tpu.dma_semaphore, #tpu.memory_space<semaphore_mem>>) src(%dma_wait3A_71 : memref<128x32xf32, #tpu.memory_space<hbm>>) dst(%dma_wait3A_68 : memref<128x32xf32, #tpu.memory_space<vmem>>)
    %add3A_72 = arith.constant 0 : i32
    %add3A_73 = arith.addi %mul3A_2, %add3A_72 : i32
    %dma_start3A_74 = arith.constant 0 : i32
    %dma_start3A_75 = arith.constant 0 : i32
    %dma_start3A_76 = arith.constant 0 : i32
    %dma_start3A_77 = arith.constant 0 : i32
    %dma_start3A_78 = tpu.memref_slice %arg8[%dma_start3A_74, %dma_start3A_76, %dma_start3A_77] : memref<8x128x32xf32, #tpu.memory_space<vmem>> -> memref<1x128x32xf32, #tpu.memory_space<vmem>>
    %dma_start3A_79 = tpu.memref_squeeze %dma_start3A_78 : memref<1x128x32xf32, #tpu.memory_space<vmem>> -> memref<128x32xf32, #tpu.memory_space<vmem>>
    %dma_start3A_80 = arith.constant 0 : i32
    %dma_start3A_81 = tpu.memref_slice %arg4[%add3A_73, %dma_start3A_75, %dma_start3A_80] : memref<327680x2x32xf32, #tpu.memory_space<hbm>> -> memref<128x1x32xf32, #tpu.memory_space<hbm>>
    %dma_start3A_82 = tpu.memref_squeeze %dma_start3A_81 : memref<128x1x32xf32, #tpu.memory_space<hbm>> -> memref<128x32xf32, #tpu.memory_space<hbm>>
    %dma_start3A_83 = arith.constant 0 : i32
    %dma_start3A_84 = tpu.memref_slice %arg4[%add3A_73, %dma_start3A_75, %dma_start3A_83] : memref<327680x2x32xf32, #tpu.memory_space<hbm>> -> memref<128x1x32xf32, #tpu.memory_space<hbm>>
    %dma_start3A_85 = tpu.memref_squeeze %dma_start3A_84 : memref<128x1x32xf32, #tpu.memory_space<hbm>> -> memref<128x32xf32, #tpu.memory_space<hbm>>
    %dma_start3A_86 = arith.constant 0 : i32
    %dma_start3A_87 = arith.constant 0 : i32
    %dma_start3A_88 = tpu.memref_slice %arg8[%dma_start3A_74, %dma_start3A_86, %dma_start3A_87] : memref<8x128x32xf32, #tpu.memory_space<vmem>> -> memref<1x128x32xf32, #tpu.memory_space<vmem>>
    %dma_start3A_89 = tpu.memref_squeeze %dma_start3A_88 : memref<1x128x32xf32, #tpu.memory_space<vmem>> -> memref<128x32xf32, #tpu.memory_space<vmem>>
    tpu.enqueue_dma source(%dma_start3A_89 : memref<128x32xf32, #tpu.memory_space<vmem>>) target(%dma_start3A_85 : memref<128x32xf32, #tpu.memory_space<hbm>>) target_semaphore(%arg10 : memref<!tpu.dma_semaphore, #tpu.memory_space<semaphore_mem>>)
    %dma_start3A_90 = arith.constant 5 : i32
    %dma_start3A_91 = arith.constant 0 : i32
    %dma_start3A_92 = arith.constant 0 : i32
    %dma_start3A_93 = tpu.memref_slice %arg8[%dma_start3A_90, %dma_start3A_91, %dma_start3A_92] : memref<8x128x32xf32, #tpu.memory_space<vmem>> -> memref<1x128x32xf32, #tpu.memory_space<vmem>>
    %dma_start3A_94 = tpu.memref_squeeze %dma_start3A_93 : memref<1x128x32xf32, #tpu.memory_space<vmem>> -> memref<128x32xf32, #tpu.memory_space<vmem>>
    %dma_start3A_95 = arith.constant 256 : i32
    %dma_start3A_96 = tpu.memref_slice %arg7[%dma_start3A_95] : memref<10240xi32, #tpu.memory_space<vmem>> -> memref<128xi32, #tpu.memory_space<vmem>>
    %dma_start3A_97 = arith.constant 0 : i32
    %dma_start3A_98 = arith.constant 0 : i32
    %dma_start3A_99 = tpu.memref_slice %arg3[%dma_start3A_97, %dma_start3A_98] : memref<2000000x32xf32, #tpu.memory_space<hbm>> -> memref<2000000x32xf32, #tpu.memory_space<hbm>>
    tpu.enqueue_indirect_dma source(%dma_start3A_99 : memref<2000000x32xf32, #tpu.memory_space<hbm>>) target(%dma_start3A_94 : memref<128x32xf32, #tpu.memory_space<vmem>>) offsets(%dma_start3A_96 : memref<128xi32, #tpu.memory_space<vmem>>) semaphore(%arg9 : memref<!tpu.dma_semaphore, #tpu.memory_space<semaphore_mem>>)
    %dma_wait3A_100 = arith.constant 1 : i32
    %dma_wait3A_101 = arith.constant 0 : i32
    %dma_wait3A_102 = arith.constant 0 : i32
    %dma_wait3A_103 = tpu.memref_slice %arg8[%dma_wait3A_100, %dma_wait3A_101, %dma_wait3A_102] : memref<8x128x32xf32, #tpu.memory_space<vmem>> -> memref<1x128x32xf32, #tpu.memory_space<vmem>>
    %dma_wait3A_104 = tpu.memref_squeeze %dma_wait3A_103 : memref<1x128x32xf32, #tpu.memory_space<vmem>> -> memref<128x32xf32, #tpu.memory_space<vmem>>
    %dma_wait3A_105 = arith.constant 0 : i32
    %dma_wait3A_106 = arith.constant 0 : i32
    %dma_wait3A_107 = tpu.memref_slice %arg3[%dma_wait3A_105, %dma_wait3A_106] : memref<2000000x32xf32, #tpu.memory_space<hbm>> -> memref<128x32xf32, #tpu.memory_space<hbm>>
    %dma_wait3A_108 = arith.constant 0 : i32
    %dma_wait3A_109 = arith.constant 0 : i32
    %dma_wait3A_110 = tpu.memref_slice %arg8[%dma_wait3A_100, %dma_wait3A_108, %dma_wait3A_109] : memref<8x128x32xf32, #tpu.memory_space<vmem>> -> memref<1x128x32xf32, #tpu.memory_space<vmem>>
    %dma_wait3A_111 = tpu.memref_squeeze %dma_wait3A_110 : memref<1x128x32xf32, #tpu.memory_space<vmem>> -> memref<128x32xf32, #tpu.memory_space<vmem>>
    %dma_wait3A_112 = arith.constant 0 : i32
    %dma_wait3A_113 = arith.constant 0 : i32
    %dma_wait3A_114 = tpu.memref_slice %arg3[%dma_wait3A_112, %dma_wait3A_113] : memref<2000000x32xf32, #tpu.memory_space<hbm>> -> memref<128x32xf32, #tpu.memory_space<hbm>>
    tpu.wait_dma2 semaphore(%arg9 : memref<!tpu.dma_semaphore, #tpu.memory_space<semaphore_mem>>) src(%dma_wait3A_114 : memref<128x32xf32, #tpu.memory_space<hbm>>) dst(%dma_wait3A_111 : memref<128x32xf32, #tpu.memory_space<vmem>>)
    %add3A_115 = arith.constant 0 : i32
    %add3A_116 = arith.addi %mul3A_2, %add3A_115 : i32
    %dma_start3A_117 = arith.constant 1 : i32
    %dma_start3A_118 = arith.constant 1 : i32
    %dma_start3A_119 = arith.constant 0 : i32
    %dma_start3A_120 = arith.constant 0 : i32
    %dma_start3A_121 = tpu.memref_slice %arg8[%dma_start3A_117, %dma_start3A_119, %dma_start3A_120] : memref<8x128x32xf32, #tpu.memory_space<vmem>> -> memref<1x128x32xf32, #tpu.memory_space<vmem>>
    %dma_start3A_122 = tpu.memref_squeeze %dma_start3A_121 : memref<1x128x32xf32, #tpu.memory_space<vmem>> -> memref<128x32xf32, #tpu.memory_space<vmem>>
    %dma_start3A_123 = arith.constant 0 : i32
    %dma_start3A_124 = tpu.memref_slice %arg4[%add3A_116, %dma_start3A_118, %dma_start3A_123] : memref<327680x2x32xf32, #tpu.memory_space<hbm>> -> memref<128x1x32xf32, #tpu.memory_space<hbm>>
    %dma_start3A_125 = tpu.memref_squeeze %dma_start3A_124 : memref<128x1x32xf32, #tpu.memory_space<hbm>> -> memref<128x32xf32, #tpu.memory_space<hbm>>
    %dma_start3A_126 = arith.constant 0 : i32
    %dma_start3A_127 = tpu.memref_slice %arg4[%add3A_116, %dma_start3A_118, %dma_start3A_126] : memref<327680x2x32xf32, #tpu.memory_space<hbm>> -> memref<128x1x32xf32, #tpu.memory_space<hbm>>
    %dma_start3A_128 = tpu.memref_squeeze %dma_start3A_127 : memref<128x1x32xf32, #tpu.memory_space<hbm>> -> memref<128x32xf32, #tpu.memory_space<hbm>>
    %dma_start3A_129 = arith.constant 0 : i32
    %dma_start3A_130 = arith.constant 0 : i32
    %dma_start3A_131 = tpu.memref_slice %arg8[%dma_start3A_117, %dma_start3A_129, %dma_start3A_130] : memref<8x128x32xf32, #tpu.memory_space<vmem>> -> memref<1x128x32xf32, #tpu.memory_space<vmem>>
    %dma_start3A_132 = tpu.memref_squeeze %dma_start3A_131 : memref<1x128x32xf32, #tpu.memory_space<vmem>> -> memref<128x32xf32, #tpu.memory_space<vmem>>
    tpu.enqueue_dma source(%dma_start3A_132 : memref<128x32xf32, #tpu.memory_space<vmem>>) target(%dma_start3A_128 : memref<128x32xf32, #tpu.memory_space<hbm>>) target_semaphore(%arg10 : memref<!tpu.dma_semaphore, #tpu.memory_space<semaphore_mem>>)
    %dma_start3A_133 = arith.constant 6 : i32
    %dma_start3A_134 = arith.constant 0 : i32
    %dma_start3A_135 = arith.constant 0 : i32
    %dma_start3A_136 = tpu.memref_slice %arg8[%dma_start3A_133, %dma_start3A_134, %dma_start3A_135] : memref<8x128x32xf32, #tpu.memory_space<vmem>> -> memref<1x128x32xf32, #tpu.memory_space<vmem>>
    %dma_start3A_137 = tpu.memref_squeeze %dma_start3A_136 : memref<1x128x32xf32, #tpu.memory_space<vmem>> -> memref<128x32xf32, #tpu.memory_space<vmem>>
    %dma_start3A_138 = arith.constant 384 : i32
    %dma_start3A_139 = tpu.memref_slice %arg6[%dma_start3A_138] : memref<10240xi32, #tpu.memory_space<vmem>> -> memref<128xi32, #tpu.memory_space<vmem>>
    %dma_start3A_140 = arith.constant 0 : i32
    %dma_start3A_141 = arith.constant 0 : i32
    %dma_start3A_142 = tpu.memref_slice %arg3[%dma_start3A_140, %dma_start3A_141] : memref<2000000x32xf32, #tpu.memory_space<hbm>> -> memref<2000000x32xf32, #tpu.memory_space<hbm>>
    tpu.enqueue_indirect_dma source(%dma_start3A_142 : memref<2000000x32xf32, #tpu.memory_space<hbm>>) target(%dma_start3A_137 : memref<128x32xf32, #tpu.memory_space<vmem>>) offsets(%dma_start3A_139 : memref<128xi32, #tpu.memory_space<vmem>>) semaphore(%arg9 : memref<!tpu.dma_semaphore, #tpu.memory_space<semaphore_mem>>)
    %dma_wait3A_143 = arith.constant 2 : i32
    %dma_wait3A_144 = arith.constant 0 : i32
    %dma_wait3A_145 = arith.constant 0 : i32
    %dma_wait3A_146 = tpu.memref_slice %arg8[%dma_wait3A_143, %dma_wait3A_144, %dma_wait3A_145] : memref<8x128x32xf32, #tpu.memory_space<vmem>> -> memref<1x128x32xf32, #tpu.memory_space<vmem>>
    %dma_wait3A_147 = tpu.memref_squeeze %dma_wait3A_146 : memref<1x128x32xf32, #tpu.memory_space<vmem>> -> memref<128x32xf32, #tpu.memory_space<vmem>>
    %dma_wait3A_148 = arith.constant 0 : i32
    %dma_wait3A_149 = arith.constant 0 : i32
    %dma_wait3A_150 = tpu.memref_slice %arg3[%dma_wait3A_148, %dma_wait3A_149] : memref<2000000x32xf32, #tpu.memory_space<hbm>> -> memref<128x32xf32, #tpu.memory_space<hbm>>
    %dma_wait3A_151 = arith.constant 0 : i32
    %dma_wait3A_152 = arith.constant 0 : i32
    %dma_wait3A_153 = tpu.memref_slice %arg8[%dma_wait3A_143, %dma_wait3A_151, %dma_wait3A_152] : memref<8x128x32xf32, #tpu.memory_space<vmem>> -> memref<1x128x32xf32, #tpu.memory_space<vmem>>
    %dma_wait3A_154 = tpu.memref_squeeze %dma_wait3A_153 : memref<1x128x32xf32, #tpu.memory_space<vmem>> -> memref<128x32xf32, #tpu.memory_space<vmem>>
    %dma_wait3A_155 = arith.constant 0 : i32
    %dma_wait3A_156 = arith.constant 0 : i32
    %dma_wait3A_157 = tpu.memref_slice %arg3[%dma_wait3A_155, %dma_wait3A_156] : memref<2000000x32xf32, #tpu.memory_space<hbm>> -> memref<128x32xf32, #tpu.memory_space<hbm>>
    tpu.wait_dma2 semaphore(%arg9 : memref<!tpu.dma_semaphore, #tpu.memory_space<semaphore_mem>>) src(%dma_wait3A_157 : memref<128x32xf32, #tpu.memory_space<hbm>>) dst(%dma_wait3A_154 : memref<128x32xf32, #tpu.memory_space<vmem>>)
    %add3A_158 = arith.constant 128 : i32
    %add3A_159 = arith.addi %mul3A_2, %add3A_158 : i32
    %dma_start3A_160 = arith.constant 2 : i32
    %dma_start3A_161 = arith.constant 0 : i32
    %dma_start3A_162 = arith.constant 0 : i32
    %dma_start3A_163 = arith.constant 0 : i32
    %dma_start3A_164 = tpu.memref_slice %arg8[%dma_start3A_160, %dma_start3A_162, %dma_start3A_163] : memref<8x128x32xf32, #tpu.memory_space<vmem>> -> memref<1x128x32xf32, #tpu.memory_space<vmem>>
    %dma_start3A_165 = tpu.memref_squeeze %dma_start3A_164 : memref<1x128x32xf32, #tpu.memory_space<vmem>> -> memref<128x32xf32, #tpu.memory_space<vmem>>
    %dma_start3A_166 = arith.constant 0 : i32
    %dma_start3A_167 = tpu.memref_slice %arg4[%add3A_159, %dma_start3A_161, %dma_start3A_166] : memref<327680x2x32xf32, #tpu.memory_space<hbm>> -> memref<128x1x32xf32, #tpu.memory_space<hbm>>
    %dma_start3A_168 = tpu.memref_squeeze %dma_start3A_167 : memref<128x1x32xf32, #tpu.memory_space<hbm>> -> memref<128x32xf32, #tpu.memory_space<hbm>>
    %dma_start3A_169 = arith.constant 0 : i32
    %dma_start3A_170 = tpu.memref_slice %arg4[%add3A_159, %dma_start3A_161, %dma_start3A_169] : memref<327680x2x32xf32, #tpu.memory_space<hbm>> -> memref<128x1x32xf32, #tpu.memory_space<hbm>>
    %dma_start3A_171 = tpu.memref_squeeze %dma_start3A_170 : memref<128x1x32xf32, #tpu.memory_space<hbm>> -> memref<128x32xf32, #tpu.memory_space<hbm>>
    %dma_start3A_172 = arith.constant 0 : i32
    %dma_start3A_173 = arith.constant 0 : i32
    %dma_start3A_174 = tpu.memref_slice %arg8[%dma_start3A_160, %dma_start3A_172, %dma_start3A_173] : memref<8x128x32xf32, #tpu.memory_space<vmem>> -> memref<1x128x32xf32, #tpu.memory_space<vmem>>
    %dma_start3A_175 = tpu.memref_squeeze %dma_start3A_174 : memref<1x128x32xf32, #tpu.memory_space<vmem>> -> memref<128x32xf32, #tpu.memory_space<vmem>>
    tpu.enqueue_dma source(%dma_start3A_175 : memref<128x32xf32, #tpu.memory_space<vmem>>) target(%dma_start3A_171 : memref<128x32xf32, #tpu.memory_space<hbm>>) target_semaphore(%arg10 : memref<!tpu.dma_semaphore, #tpu.memory_space<semaphore_mem>>)
    %dma_start3A_176 = arith.constant 7 : i32
    %dma_start3A_177 = arith.constant 0 : i32
    %dma_start3A_178 = arith.constant 0 : i32
    %dma_start3A_179 = tpu.memref_slice %arg8[%dma_start3A_176, %dma_start3A_177, %dma_start3A_178] : memref<8x128x32xf32, #tpu.memory_space<vmem>> -> memref<1x128x32xf32, #tpu.memory_space<vmem>>
    %dma_start3A_180 = tpu.memref_squeeze %dma_start3A_179 : memref<1x128x32xf32, #tpu.memory_space<vmem>> -> memref<128x32xf32, #tpu.memory_space<vmem>>
    %dma_start3A_181 = arith.constant 384 : i32
    %dma_start3A_182 = tpu.memref_slice %arg7[%dma_start3A_181] : memref<10240xi32, #tpu.memory_space<vmem>> -> memref<128xi32, #tpu.memory_space<vmem>>
    %dma_start3A_183 = arith.constant 0 : i32
    %dma_start3A_184 = arith.constant 0 : i32
    %dma_start3A_185 = tpu.memref_slice %arg3[%dma_start3A_183, %dma_start3A_184] : memref<2000000x32xf32, #tpu.memory_space<hbm>> -> memref<2000000x32xf32, #tpu.memory_space<hbm>>
    tpu.enqueue_indirect_dma source(%dma_start3A_185 : memref<2000000x32xf32, #tpu.memory_space<hbm>>) target(%dma_start3A_180 : memref<128x32xf32, #tpu.memory_space<vmem>>) offsets(%dma_start3A_182 : memref<128xi32, #tpu.memory_space<vmem>>) semaphore(%arg9 : memref<!tpu.dma_semaphore, #tpu.memory_space<semaphore_mem>>)
    %dma_wait3A_186 = arith.constant 3 : i32
    %dma_wait3A_187 = arith.constant 0 : i32
    %dma_wait3A_188 = arith.constant 0 : i32
    %dma_wait3A_189 = tpu.memref_slice %arg8[%dma_wait3A_186, %dma_wait3A_187, %dma_wait3A_188] : memref<8x128x32xf32, #tpu.memory_space<vmem>> -> memref<1x128x32xf32, #tpu.memory_space<vmem>>
    %dma_wait3A_190 = tpu.memref_squeeze %dma_wait3A_189 : memref<1x128x32xf32, #tpu.memory_space<vmem>> -> memref<128x32xf32, #tpu.memory_space<vmem>>
    %dma_wait3A_191 = arith.constant 0 : i32
    %dma_wait3A_192 = arith.constant 0 : i32
    %dma_wait3A_193 = tpu.memref_slice %arg3[%dma_wait3A_191, %dma_wait3A_192] : memref<2000000x32xf32, #tpu.memory_space<hbm>> -> memref<128x32xf32, #tpu.memory_space<hbm>>
    %dma_wait3A_194 = arith.constant 0 : i32
    %dma_wait3A_195 = arith.constant 0 : i32
    %dma_wait3A_196 = tpu.memref_slice %arg8[%dma_wait3A_186, %dma_wait3A_194, %dma_wait3A_195] : memref<8x128x32xf32, #tpu.memory_space<vmem>> -> memref<1x128x32xf32, #tpu.memory_space<vmem>>
    %dma_wait3A_197 = tpu.memref_squeeze %dma_wait3A_196 : memref<1x128x32xf32, #tpu.memory_space<vmem>> -> memref<128x32xf32, #tpu.memory_space<vmem>>
    %dma_wait3A_198 = arith.constant 0 : i32
    %dma_wait3A_199 = arith.constant 0 : i32
    %dma_wait3A_200 = tpu.memref_slice %arg3[%dma_wait3A_198, %dma_wait3A_199] : memref<2000000x32xf32, #tpu.memory_space<hbm>> -> memref<128x32xf32, #tpu.memory_space<hbm>>
    tpu.wait_dma2 semaphore(%arg9 : memref<!tpu.dma_semaphore, #tpu.memory_space<semaphore_mem>>) src(%dma_wait3A_200 : memref<128x32xf32, #tpu.memory_space<hbm>>) dst(%dma_wait3A_197 : memref<128x32xf32, #tpu.memory_space<vmem>>)
    %add3A_201 = arith.constant 128 : i32
    %add3A_202 = arith.addi %mul3A_2, %add3A_201 : i32
    %dma_start3A_203 = arith.constant 3 : i32
    %dma_start3A_204 = arith.constant 1 : i32
    %dma_start3A_205 = arith.constant 0 : i32
    %dma_start3A_206 = arith.constant 0 : i32
    %dma_start3A_207 = tpu.memref_slice %arg8[%dma_start3A_203, %dma_start3A_205, %dma_start3A_206] : memref<8x128x32xf32, #tpu.memory_space<vmem>> -> memref<1x128x32xf32, #tpu.memory_space<vmem>>
    %dma_start3A_208 = tpu.memref_squeeze %dma_start3A_207 : memref<1x128x32xf32, #tpu.memory_space<vmem>> -> memref<128x32xf32, #tpu.memory_space<vmem>>
    %dma_start3A_209 = arith.constant 0 : i32
    %dma_start3A_210 = tpu.memref_slice %arg4[%add3A_202, %dma_start3A_204, %dma_start3A_209] : memref<327680x2x32xf32, #tpu.memory_space<hbm>> -> memref<128x1x32xf32, #tpu.memory_space<hbm>>
    %dma_start3A_211 = tpu.memref_squeeze %dma_start3A_210 : memref<128x1x32xf32, #tpu.memory_space<hbm>> -> memref<128x32xf32, #tpu.memory_space<hbm>>
    %dma_start3A_212 = arith.constant 0 : i32
    %dma_start3A_213 = tpu.memref_slice %arg4[%add3A_202, %dma_start3A_204, %dma_start3A_212] : memref<327680x2x32xf32, #tpu.memory_space<hbm>> -> memref<128x1x32xf32, #tpu.memory_space<hbm>>
    %dma_start3A_214 = tpu.memref_squeeze %dma_start3A_213 : memref<128x1x32xf32, #tpu.memory_space<hbm>> -> memref<128x32xf32, #tpu.memory_space<hbm>>
    %dma_start3A_215 = arith.constant 0 : i32
    %dma_start3A_216 = arith.constant 0 : i32
    %dma_start3A_217 = tpu.memref_slice %arg8[%dma_start3A_203, %dma_start3A_215, %dma_start3A_216] : memref<8x128x32xf32, #tpu.memory_space<vmem>> -> memref<1x128x32xf32, #tpu.memory_space<vmem>>
    %dma_start3A_218 = tpu.memref_squeeze %dma_start3A_217 : memref<1x128x32xf32, #tpu.memory_space<vmem>> -> memref<128x32xf32, #tpu.memory_space<vmem>>
    tpu.enqueue_dma source(%dma_start3A_218 : memref<128x32xf32, #tpu.memory_space<vmem>>) target(%dma_start3A_214 : memref<128x32xf32, #tpu.memory_space<hbm>>) target_semaphore(%arg10 : memref<!tpu.dma_semaphore, #tpu.memory_space<semaphore_mem>>)
    %scan3A_219 = arith.constant 0 : i32
    %scan3A_220 = arith.constant 1 : i32
    %scan3A_221 = arith.constant 19 : i32
    %scan3A_222 = arith.addi %scan3A_220, %scan3A_221 : i32
    %scan3A_223 = arith.constant 1 : i32
    %scan3A_224 = scf.for %scan3A_486 = %scan3A_220 to %scan3A_222 step %scan3A_223 iter_args(%scan3A_487 = %scan3A_219) -> (i32)  : i32 {
      %mul3A_488 = arith.constant 8 : i32
      %mul3A_489 = arith.muli %scan3A_486, %mul3A_488 : i32
      %add3A_490 = arith.constant 0 : i32
      %add3A_491 = arith.addi %mul3A_489, %add3A_490 : i32
      %dma_wait3A_492 = arith.constant 0 : i32
      %dma_wait3A_493 = arith.constant 0 : i32
      %dma_wait3A_494 = arith.constant 0 : i32
      %dma_wait3A_495 = arith.constant 0 : i32
      %dma_wait3A_496 = tpu.memref_slice %arg8[%dma_wait3A_492, %dma_wait3A_494, %dma_wait3A_495] : memref<8x128x32xf32, #tpu.memory_space<vmem>> -> memref<1x128x32xf32, #tpu.memory_space<vmem>>
      %dma_wait3A_497 = tpu.memref_squeeze %dma_wait3A_496 : memref<1x128x32xf32, #tpu.memory_space<vmem>> -> memref<128x32xf32, #tpu.memory_space<vmem>>
      %dma_wait3A_498 = arith.constant 0 : i32
      %dma_wait3A_499 = tpu.memref_slice %arg4[%mul3A_2, %dma_wait3A_493, %dma_wait3A_498] : memref<327680x2x32xf32, #tpu.memory_space<hbm>> -> memref<128x1x32xf32, #tpu.memory_space<hbm>>
      %dma_wait3A_500 = tpu.memref_squeeze %dma_wait3A_499 : memref<128x1x32xf32, #tpu.memory_space<hbm>> -> memref<128x32xf32, #tpu.memory_space<hbm>>
      %dma_wait3A_501 = arith.constant 0 : i32
      %dma_wait3A_502 = tpu.memref_slice %arg4[%mul3A_2, %dma_wait3A_493, %dma_wait3A_501] : memref<327680x2x32xf32, #tpu.memory_space<hbm>> -> memref<128x1x32xf32, #tpu.memory_space<hbm>>
      %dma_wait3A_503 = tpu.memref_squeeze %dma_wait3A_502 : memref<128x1x32xf32, #tpu.memory_space<hbm>> -> memref<128x32xf32, #tpu.memory_space<hbm>>
      %dma_wait3A_504 = arith.constant 0 : i32
      %dma_wait3A_505 = arith.constant 0 : i32
      %dma_wait3A_506 = tpu.memref_slice %arg8[%dma_wait3A_492, %dma_wait3A_504, %dma_wait3A_505] : memref<8x128x32xf32, #tpu.memory_space<vmem>> -> memref<1x128x32xf32, #tpu.memory_space<vmem>>
      %dma_wait3A_507 = tpu.memref_squeeze %dma_wait3A_506 : memref<1x128x32xf32, #tpu.memory_space<vmem>> -> memref<128x32xf32, #tpu.memory_space<vmem>>
      tpu.wait_dma2 semaphore(%arg10 : memref<!tpu.dma_semaphore, #tpu.memory_space<semaphore_mem>>) src(%dma_wait3A_507 : memref<128x32xf32, #tpu.memory_space<vmem>>) dst(%dma_wait3A_503 : memref<128x32xf32, #tpu.memory_space<hbm>>)
      %jit3A = arith.constant 2 : i32
      %div3A = arith.divsi %add3A_491, %jit3A : i32
      %sign3A = arith.constant 0 : i32
      %sign3A_508 = arith.cmpi sgt, %add3A_491, %sign3A : i32
      %sign3A_509 = arith.extui %sign3A_508 : i1 to i32
      %sign3A_510 = arith.constant 0 : i32
      %sign3A_511 = arith.cmpi slt, %add3A_491, %sign3A_510 : i32
      %sign3A_512 = arith.extui %sign3A_511 : i1 to i32
      %sign3A_513 = arith.subi %sign3A_509, %sign3A_512 : i32
      %sign3A_514 = arith.constant 0 : i32
      %sign3A_515 = arith.cmpi sgt, %jit3A, %sign3A_514 : i32
      %sign3A_516 = arith.extui %sign3A_515 : i1 to i32
      %sign3A_517 = arith.constant 0 : i32
      %sign3A_518 = arith.cmpi slt, %jit3A, %sign3A_517 : i32
      %sign3A_519 = arith.extui %sign3A_518 : i1 to i32
      %sign3A_520 = arith.subi %sign3A_516, %sign3A_519 : i32
      %ne3A = arith.cmpi ne, %sign3A_513, %sign3A_520 : i32
      %rem3A = arith.remsi %add3A_491, %jit3A : i32
      %ne3A_521 = arith.constant 0 : i32
      %ne3A_522 = arith.cmpi ne, %rem3A, %ne3A_521 : i32
      %and3A = arith.andi %ne3A, %ne3A_522 : i1
      %sub3A = arith.constant 1 : i32
      %sub3A_523 = arith.subi %div3A, %sub3A : i32
      %select_n3A = arith.select %and3A, %sub3A_523, %div3A : i32
      %mul3A_524 = arith.constant 128 : i32
      %mul3A_525 = arith.muli %select_n3A, %mul3A_524 : i32
      %dma_start3A_526 = arith.constant 0 : i32
      %dma_start3A_527 = arith.constant 0 : i32
      %dma_start3A_528 = arith.constant 0 : i32
      %dma_start3A_529 = tpu.memref_slice %arg8[%dma_start3A_526, %dma_start3A_527, %dma_start3A_528] : memref<8x128x32xf32, #tpu.memory_space<vmem>> -> memref<1x128x32xf32, #tpu.memory_space<vmem>>
      %dma_start3A_530 = tpu.memref_squeeze %dma_start3A_529 : memref<1x128x32xf32, #tpu.memory_space<vmem>> -> memref<128x32xf32, #tpu.memory_space<vmem>>
      %dma_start3A_531 = tpu.memref_slice %arg6[%mul3A_525] : memref<10240xi32, #tpu.memory_space<vmem>> -> memref<128xi32, #tpu.memory_space<vmem>>
      %dma_start3A_532 = arith.constant 0 : i32
      %dma_start3A_533 = arith.constant 0 : i32
      %dma_start3A_534 = tpu.memref_slice %arg3[%dma_start3A_532, %dma_start3A_533] : memref<2000000x32xf32, #tpu.memory_space<hbm>> -> memref<2000000x32xf32, #tpu.memory_space<hbm>>
      tpu.enqueue_indirect_dma source(%dma_start3A_534 : memref<2000000x32xf32, #tpu.memory_space<hbm>>) target(%dma_start3A_530 : memref<128x32xf32, #tpu.memory_space<vmem>>) offsets(%dma_start3A_531 : memref<128xi32, #tpu.memory_space<vmem>>) semaphore(%arg9 : memref<!tpu.dma_semaphore, #tpu.memory_space<semaphore_mem>>)
      %dma_wait3A_535 = arith.constant 4 : i32
      %dma_wait3A_536 = arith.constant 0 : i32
      %dma_wait3A_537 = arith.constant 0 : i32
      %dma_wait3A_538 = tpu.memref_slice %arg8[%dma_wait3A_535, %dma_wait3A_536, %dma_wait3A_537] : memref<8x128x32xf32, #tpu.memory_space<vmem>> -> memref<1x128x32xf32, #tpu.memory_space<vmem>>
      %dma_wait3A_539 = tpu.memref_squeeze %dma_wait3A_538 : memref<1x128x32xf32, #tpu.memory_space<vmem>> -> memref<128x32xf32, #tpu.memory_space<vmem>>
      %dma_wait3A_540 = arith.constant 0 : i32
      %dma_wait3A_541 = arith.constant 0 : i32
      %dma_wait3A_542 = tpu.memref_slice %arg3[%dma_wait3A_540, %dma_wait3A_541] : memref<2000000x32xf32, #tpu.memory_space<hbm>> -> memref<128x32xf32, #tpu.memory_space<hbm>>
      %dma_wait3A_543 = arith.constant 0 : i32
      %dma_wait3A_544 = arith.constant 0 : i32
      %dma_wait3A_545 = tpu.memref_slice %arg8[%dma_wait3A_535, %dma_wait3A_543, %dma_wait3A_544] : memref<8x128x32xf32, #tpu.memory_space<vmem>> -> memref<1x128x32xf32, #tpu.memory_space<vmem>>
      %dma_wait3A_546 = tpu.memref_squeeze %dma_wait3A_545 : memref<1x128x32xf32, #tpu.memory_space<vmem>> -> memref<128x32xf32, #tpu.memory_space<vmem>>
      %dma_wait3A_547 = arith.constant 0 : i32
      %dma_wait3A_548 = arith.constant 0 : i32
      %dma_wait3A_549 = tpu.memref_slice %arg3[%dma_wait3A_547, %dma_wait3A_548] : memref<2000000x32xf32, #tpu.memory_space<hbm>> -> memref<128x32xf32, #tpu.memory_space<hbm>>
      tpu.wait_dma2 semaphore(%arg9 : memref<!tpu.dma_semaphore, #tpu.memory_space<semaphore_mem>>) src(%dma_wait3A_549 : memref<128x32xf32, #tpu.memory_space<hbm>>) dst(%dma_wait3A_546 : memref<128x32xf32, #tpu.memory_space<vmem>>)
      %sub3A_550 = arith.constant 4 : i32
      %sub3A_551 = arith.subi %add3A_491, %sub3A_550 : i32
      %jit3A_552 = arith.constant 2 : i32
      %div3A_553 = arith.divsi %sub3A_551, %jit3A_552 : i32
      %sign3A_554 = arith.constant 0 : i32
      %sign3A_555 = arith.cmpi sgt, %sub3A_551, %sign3A_554 : i32
      %sign3A_556 = arith.extui %sign3A_555 : i1 to i32
      %sign3A_557 = arith.constant 0 : i32
      %sign3A_558 = arith.cmpi slt, %sub3A_551, %sign3A_557 : i32
      %sign3A_559 = arith.extui %sign3A_558 : i1 to i32
      %sign3A_560 = arith.subi %sign3A_556, %sign3A_559 : i32
      %sign3A_561 = arith.constant 0 : i32
      %sign3A_562 = arith.cmpi sgt, %jit3A_552, %sign3A_561 : i32
      %sign3A_563 = arith.extui %sign3A_562 : i1 to i32
      %sign3A_564 = arith.constant 0 : i32
      %sign3A_565 = arith.cmpi slt, %jit3A_552, %sign3A_564 : i32
      %sign3A_566 = arith.extui %sign3A_565 : i1 to i32
      %sign3A_567 = arith.subi %sign3A_563, %sign3A_566 : i32
      %ne3A_568 = arith.cmpi ne, %sign3A_560, %sign3A_567 : i32
      %rem3A_569 = arith.remsi %sub3A_551, %jit3A_552 : i32
      %ne3A_570 = arith.constant 0 : i32
      %ne3A_571 = arith.cmpi ne, %rem3A_569, %ne3A_570 : i32
      %and3A_572 = arith.andi %ne3A_568, %ne3A_571 : i1
      %sub3A_573 = arith.constant 1 : i32
      %sub3A_574 = arith.subi %div3A_553, %sub3A_573 : i32
      %select_n3A_575 = arith.select %and3A_572, %sub3A_574, %div3A_553 : i32
      %mul3A_576 = arith.constant 128 : i32
      %mul3A_577 = arith.muli %select_n3A_575, %mul3A_576 : i32
      %add3A_578 = arith.addi %mul3A_2, %mul3A_577 : i32
      %dma_start3A_579 = arith.constant 4 : i32
      %dma_start3A_580 = arith.constant 0 : i32
      %dma_start3A_581 = arith.constant 0 : i32
      %dma_start3A_582 = arith.constant 0 : i32
      %dma_start3A_583 = tpu.memref_slice %arg8[%dma_start3A_579, %dma_start3A_581, %dma_start3A_582] : memref<8x128x32xf32, #tpu.memory_space<vmem>> -> memref<1x128x32xf32, #tpu.memory_space<vmem>>
      %dma_start3A_584 = tpu.memref_squeeze %dma_start3A_583 : memref<1x128x32xf32, #tpu.memory_space<vmem>> -> memref<128x32xf32, #tpu.memory_space<vmem>>
      %dma_start3A_585 = arith.constant 0 : i32
      %dma_start3A_586 = tpu.memref_slice %arg4[%add3A_578, %dma_start3A_580, %dma_start3A_585] : memref<327680x2x32xf32, #tpu.memory_space<hbm>> -> memref<128x1x32xf32, #tpu.memory_space<hbm>>
      %dma_start3A_587 = tpu.memref_squeeze %dma_start3A_586 : memref<128x1x32xf32, #tpu.memory_space<hbm>> -> memref<128x32xf32, #tpu.memory_space<hbm>>
      %dma_start3A_588 = arith.constant 0 : i32
      %dma_start3A_589 = tpu.memref_slice %arg4[%add3A_578, %dma_start3A_580, %dma_start3A_588] : memref<327680x2x32xf32, #tpu.memory_space<hbm>> -> memref<128x1x32xf32, #tpu.memory_space<hbm>>
      %dma_start3A_590 = tpu.memref_squeeze %dma_start3A_589 : memref<128x1x32xf32, #tpu.memory_space<hbm>> -> memref<128x32xf32, #tpu.memory_space<hbm>>
      %dma_start3A_591 = arith.constant 0 : i32
      %dma_start3A_592 = arith.constant 0 : i32
      %dma_start3A_593 = tpu.memref_slice %arg8[%dma_start3A_579, %dma_start3A_591, %dma_start3A_592] : memref<8x128x32xf32, #tpu.memory_space<vmem>> -> memref<1x128x32xf32, #tpu.memory_space<vmem>>
      %dma_start3A_594 = tpu.memref_squeeze %dma_start3A_593 : memref<1x128x32xf32, #tpu.memory_space<vmem>> -> memref<128x32xf32, #tpu.memory_space<vmem>>
      tpu.enqueue_dma source(%dma_start3A_594 : memref<128x32xf32, #tpu.memory_space<vmem>>) target(%dma_start3A_590 : memref<128x32xf32, #tpu.memory_space<hbm>>) target_semaphore(%arg10 : memref<!tpu.dma_semaphore, #tpu.memory_space<semaphore_mem>>)
      %mul3A_595 = arith.constant 8 : i32
      %mul3A_596 = arith.muli %scan3A_486, %mul3A_595 : i32
      %add3A_597 = arith.constant 1 : i32
      %add3A_598 = arith.addi %mul3A_596, %add3A_597 : i32
      %dma_wait3A_599 = arith.constant 1 : i32
      %dma_wait3A_600 = arith.constant 0 : i32
      %dma_wait3A_601 = arith.constant 0 : i32
      %dma_wait3A_602 = arith.constant 0 : i32
      %dma_wait3A_603 = tpu.memref_slice %arg8[%dma_wait3A_599, %dma_wait3A_601, %dma_wait3A_602] : memref<8x128x32xf32, #tpu.memory_space<vmem>> -> memref<1x128x32xf32, #tpu.memory_space<vmem>>
      %dma_wait3A_604 = tpu.memref_squeeze %dma_wait3A_603 : memref<1x128x32xf32, #tpu.memory_space<vmem>> -> memref<128x32xf32, #tpu.memory_space<vmem>>
      %dma_wait3A_605 = arith.constant 0 : i32
      %dma_wait3A_606 = tpu.memref_slice %arg4[%mul3A_2, %dma_wait3A_600, %dma_wait3A_605] : memref<327680x2x32xf32, #tpu.memory_space<hbm>> -> memref<128x1x32xf32, #tpu.memory_space<hbm>>
      %dma_wait3A_607 = tpu.memref_squeeze %dma_wait3A_606 : memref<128x1x32xf32, #tpu.memory_space<hbm>> -> memref<128x32xf32, #tpu.memory_space<hbm>>
      %dma_wait3A_608 = arith.constant 0 : i32
      %dma_wait3A_609 = tpu.memref_slice %arg4[%mul3A_2, %dma_wait3A_600, %dma_wait3A_608] : memref<327680x2x32xf32, #tpu.memory_space<hbm>> -> memref<128x1x32xf32, #tpu.memory_space<hbm>>
      %dma_wait3A_610 = tpu.memref_squeeze %dma_wait3A_609 : memref<128x1x32xf32, #tpu.memory_space<hbm>> -> memref<128x32xf32, #tpu.memory_space<hbm>>
      %dma_wait3A_611 = arith.constant 0 : i32
      %dma_wait3A_612 = arith.constant 0 : i32
      %dma_wait3A_613 = tpu.memref_slice %arg8[%dma_wait3A_599, %dma_wait3A_611, %dma_wait3A_612] : memref<8x128x32xf32, #tpu.memory_space<vmem>> -> memref<1x128x32xf32, #tpu.memory_space<vmem>>
      %dma_wait3A_614 = tpu.memref_squeeze %dma_wait3A_613 : memref<1x128x32xf32, #tpu.memory_space<vmem>> -> memref<128x32xf32, #tpu.memory_space<vmem>>
      tpu.wait_dma2 semaphore(%arg10 : memref<!tpu.dma_semaphore, #tpu.memory_space<semaphore_mem>>) src(%dma_wait3A_614 : memref<128x32xf32, #tpu.memory_space<vmem>>) dst(%dma_wait3A_610 : memref<128x32xf32, #tpu.memory_space<hbm>>)
      %jit3A_615 = arith.constant 2 : i32
      %div3A_616 = arith.divsi %add3A_598, %jit3A_615 : i32
      %sign3A_617 = arith.constant 0 : i32
      %sign3A_618 = arith.cmpi sgt, %add3A_598, %sign3A_617 : i32
      %sign3A_619 = arith.extui %sign3A_618 : i1 to i32
      %sign3A_620 = arith.constant 0 : i32
      %sign3A_621 = arith.cmpi slt, %add3A_598, %sign3A_620 : i32
      %sign3A_622 = arith.extui %sign3A_621 : i1 to i32
      %sign3A_623 = arith.subi %sign3A_619, %sign3A_622 : i32
      %sign3A_624 = arith.constant 0 : i32
      %sign3A_625 = arith.cmpi sgt, %jit3A_615, %sign3A_624 : i32
      %sign3A_626 = arith.extui %sign3A_625 : i1 to i32
      %sign3A_627 = arith.constant 0 : i32
      %sign3A_628 = arith.cmpi slt, %jit3A_615, %sign3A_627 : i32
      %sign3A_629 = arith.extui %sign3A_628 : i1 to i32
      %sign3A_630 = arith.subi %sign3A_626, %sign3A_629 : i32
      %ne3A_631 = arith.cmpi ne, %sign3A_623, %sign3A_630 : i32
      %rem3A_632 = arith.remsi %add3A_598, %jit3A_615 : i32
      %ne3A_633 = arith.constant 0 : i32
      %ne3A_634 = arith.cmpi ne, %rem3A_632, %ne3A_633 : i32
      %and3A_635 = arith.andi %ne3A_631, %ne3A_634 : i1
      %sub3A_636 = arith.constant 1 : i32
      %sub3A_637 = arith.subi %div3A_616, %sub3A_636 : i32
      %select_n3A_638 = arith.select %and3A_635, %sub3A_637, %div3A_616 : i32
      %mul3A_639 = arith.constant 128 : i32
      %mul3A_640 = arith.muli %select_n3A_638, %mul3A_639 : i32
      %dma_start3A_641 = arith.constant 1 : i32
      %dma_start3A_642 = arith.constant 0 : i32
      %dma_start3A_643 = arith.constant 0 : i32
      %dma_start3A_644 = tpu.memref_slice %arg8[%dma_start3A_641, %dma_start3A_642, %dma_start3A_643] : memref<8x128x32xf32, #tpu.memory_space<vmem>> -> memref<1x128x32xf32, #tpu.memory_space<vmem>>
      %dma_start3A_645 = tpu.memref_squeeze %dma_start3A_644 : memref<1x128x32xf32, #tpu.memory_space<vmem>> -> memref<128x32xf32, #tpu.memory_space<vmem>>
      %dma_start3A_646 = tpu.memref_slice %arg7[%mul3A_640] : memref<10240xi32, #tpu.memory_space<vmem>> -> memref<128xi32, #tpu.memory_space<vmem>>
      %dma_start3A_647 = arith.constant 0 : i32
      %dma_start3A_648 = arith.constant 0 : i32
      %dma_start3A_649 = tpu.memref_slice %arg3[%dma_start3A_647, %dma_start3A_648] : memref<2000000x32xf32, #tpu.memory_space<hbm>> -> memref<2000000x32xf32, #tpu.memory_space<hbm>>
      tpu.enqueue_indirect_dma source(%dma_start3A_649 : memref<2000000x32xf32, #tpu.memory_space<hbm>>) target(%dma_start3A_645 : memref<128x32xf32, #tpu.memory_space<vmem>>) offsets(%dma_start3A_646 : memref<128xi32, #tpu.memory_space<vmem>>) semaphore(%arg9 : memref<!tpu.dma_semaphore, #tpu.memory_space<semaphore_mem>>)
      %dma_wait3A_650 = arith.constant 5 : i32
      %dma_wait3A_651 = arith.constant 0 : i32
      %dma_wait3A_652 = arith.constant 0 : i32
      %dma_wait3A_653 = tpu.memref_slice %arg8[%dma_wait3A_650, %dma_wait3A_651, %dma_wait3A_652] : memref<8x128x32xf32, #tpu.memory_space<vmem>> -> memref<1x128x32xf32, #tpu.memory_space<vmem>>
      %dma_wait3A_654 = tpu.memref_squeeze %dma_wait3A_653 : memref<1x128x32xf32, #tpu.memory_space<vmem>> -> memref<128x32xf32, #tpu.memory_space<vmem>>
      %dma_wait3A_655 = arith.constant 0 : i32
      %dma_wait3A_656 = arith.constant 0 : i32
      %dma_wait3A_657 = tpu.memref_slice %arg3[%dma_wait3A_655, %dma_wait3A_656] : memref<2000000x32xf32, #tpu.memory_space<hbm>> -> memref<128x32xf32, #tpu.memory_space<hbm>>
      %dma_wait3A_658 = arith.constant 0 : i32
      %dma_wait3A_659 = arith.constant 0 : i32
      %dma_wait3A_660 = tpu.memref_slice %arg8[%dma_wait3A_650, %dma_wait3A_658, %dma_wait3A_659] : memref<8x128x32xf32, #tpu.memory_space<vmem>> -> memref<1x128x32xf32, #tpu.memory_space<vmem>>
      %dma_wait3A_661 = tpu.memref_squeeze %dma_wait3A_660 : memref<1x128x32xf32, #tpu.memory_space<vmem>> -> memref<128x32xf32, #tpu.memory_space<vmem>>
      %dma_wait3A_662 = arith.constant 0 : i32
      %dma_wait3A_663 = arith.constant 0 : i32
      %dma_wait3A_664 = tpu.memref_slice %arg3[%dma_wait3A_662, %dma_wait3A_663] : memref<2000000x32xf32, #tpu.memory_space<hbm>> -> memref<128x32xf32, #tpu.memory_space<hbm>>
      tpu.wait_dma2 semaphore(%arg9 : memref<!tpu.dma_semaphore, #tpu.memory_space<semaphore_mem>>) src(%dma_wait3A_664 : memref<128x32xf32, #tpu.memory_space<hbm>>) dst(%dma_wait3A_661 : memref<128x32xf32, #tpu.memory_space<vmem>>)
      %sub3A_665 = arith.constant 4 : i32
      %sub3A_666 = arith.subi %add3A_598, %sub3A_665 : i32
      %jit3A_667 = arith.constant 2 : i32
      %div3A_668 = arith.divsi %sub3A_666, %jit3A_667 : i32
      %sign3A_669 = arith.constant 0 : i32
      %sign3A_670 = arith.cmpi sgt, %sub3A_666, %sign3A_669 : i32
      %sign3A_671 = arith.extui %sign3A_670 : i1 to i32
      %sign3A_672 = arith.constant 0 : i32
      %sign3A_673 = arith.cmpi slt, %sub3A_666, %sign3A_672 : i32
      %sign3A_674 = arith.extui %sign3A_673 : i1 to i32
      %sign3A_675 = arith.subi %sign3A_671, %sign3A_674 : i32
      %sign3A_676 = arith.constant 0 : i32
      %sign3A_677 = arith.cmpi sgt, %jit3A_667, %sign3A_676 : i32
      %sign3A_678 = arith.extui %sign3A_677 : i1 to i32
      %sign3A_679 = arith.constant 0 : i32
      %sign3A_680 = arith.cmpi slt, %jit3A_667, %sign3A_679 : i32
      %sign3A_681 = arith.extui %sign3A_680 : i1 to i32
      %sign3A_682 = arith.subi %sign3A_678, %sign3A_681 : i32
      %ne3A_683 = arith.cmpi ne, %sign3A_675, %sign3A_682 : i32
      %rem3A_684 = arith.remsi %sub3A_666, %jit3A_667 : i32
      %ne3A_685 = arith.constant 0 : i32
      %ne3A_686 = arith.cmpi ne, %rem3A_684, %ne3A_685 : i32
      %and3A_687 = arith.andi %ne3A_683, %ne3A_686 : i1
      %sub3A_688 = arith.constant 1 : i32
      %sub3A_689 = arith.subi %div3A_668, %sub3A_688 : i32
      %select_n3A_690 = arith.select %and3A_687, %sub3A_689, %div3A_668 : i32
      %mul3A_691 = arith.constant 128 : i32
      %mul3A_692 = arith.muli %select_n3A_690, %mul3A_691 : i32
      %add3A_693 = arith.addi %mul3A_2, %mul3A_692 : i32
      %dma_start3A_694 = arith.constant 5 : i32
      %dma_start3A_695 = arith.constant 1 : i32
      %dma_start3A_696 = arith.constant 0 : i32
      %dma_start3A_697 = arith.constant 0 : i32
      %dma_start3A_698 = tpu.memref_slice %arg8[%dma_start3A_694, %dma_start3A_696, %dma_start3A_697] : memref<8x128x32xf32, #tpu.memory_space<vmem>> -> memref<1x128x32xf32, #tpu.memory_space<vmem>>
      %dma_start3A_699 = tpu.memref_squeeze %dma_start3A_698 : memref<1x128x32xf32, #tpu.memory_space<vmem>> -> memref<128x32xf32, #tpu.memory_space<vmem>>
      %dma_start3A_700 = arith.constant 0 : i32
      %dma_start3A_701 = tpu.memref_slice %arg4[%add3A_693, %dma_start3A_695, %dma_start3A_700] : memref<327680x2x32xf32, #tpu.memory_space<hbm>> -> memref<128x1x32xf32, #tpu.memory_space<hbm>>
      %dma_start3A_702 = tpu.memref_squeeze %dma_start3A_701 : memref<128x1x32xf32, #tpu.memory_space<hbm>> -> memref<128x32xf32, #tpu.memory_space<hbm>>
      %dma_start3A_703 = arith.constant 0 : i32
      %dma_start3A_704 = tpu.memref_slice %arg4[%add3A_693, %dma_start3A_695, %dma_start3A_703] : memref<327680x2x32xf32, #tpu.memory_space<hbm>> -> memref<128x1x32xf32, #tpu.memory_space<hbm>>
      %dma_start3A_705 = tpu.memref_squeeze %dma_start3A_704 : memref<128x1x32xf32, #tpu.memory_space<hbm>> -> memref<128x32xf32, #tpu.memory_space<hbm>>
      %dma_start3A_706 = arith.constant 0 : i32
      %dma_start3A_707 = arith.constant 0 : i32
      %dma_start3A_708 = tpu.memref_slice %arg8[%dma_start3A_694, %dma_start3A_706, %dma_start3A_707] : memref<8x128x32xf32, #tpu.memory_space<vmem>> -> memref<1x128x32xf32, #tpu.memory_space<vmem>>
      %dma_start3A_709 = tpu.memref_squeeze %dma_start3A_708 : memref<1x128x32xf32, #tpu.memory_space<vmem>> -> memref<128x32xf32, #tpu.memory_space<vmem>>
      tpu.enqueue_dma source(%dma_start3A_709 : memref<128x32xf32, #tpu.memory_space<vmem>>) target(%dma_start3A_705 : memref<128x32xf32, #tpu.memory_space<hbm>>) target_semaphore(%arg10 : memref<!tpu.dma_semaphore, #tpu.memory_space<semaphore_mem>>)
      %mul3A_710 = arith.constant 8 : i32
      %mul3A_711 = arith.muli %scan3A_486, %mul3A_710 : i32
      %add3A_712 = arith.constant 2 : i32
      %add3A_713 = arith.addi %mul3A_711, %add3A_712 : i32
      %dma_wait3A_714 = arith.constant 2 : i32
      %dma_wait3A_715 = arith.constant 0 : i32
      %dma_wait3A_716 = arith.constant 0 : i32
      %dma_wait3A_717 = arith.constant 0 : i32
      %dma_wait3A_718 = tpu.memref_slice %arg8[%dma_wait3A_714, %dma_wait3A_716, %dma_wait3A_717] : memref<8x128x32xf32, #tpu.memory_space<vmem>> -> memref<1x128x32xf32, #tpu.memory_space<vmem>>
      %dma_wait3A_719 = tpu.memref_squeeze %dma_wait3A_718 : memref<1x128x32xf32, #tpu.memory_space<vmem>> -> memref<128x32xf32, #tpu.memory_space<vmem>>
      %dma_wait3A_720 = arith.constant 0 : i32
      %dma_wait3A_721 = tpu.memref_slice %arg4[%mul3A_2, %dma_wait3A_715, %dma_wait3A_720] : memref<327680x2x32xf32, #tpu.memory_space<hbm>> -> memref<128x1x32xf32, #tpu.memory_space<hbm>>
      %dma_wait3A_722 = tpu.memref_squeeze %dma_wait3A_721 : memref<128x1x32xf32, #tpu.memory_space<hbm>> -> memref<128x32xf32, #tpu.memory_space<hbm>>
      %dma_wait3A_723 = arith.constant 0 : i32
      %dma_wait3A_724 = tpu.memref_slice %arg4[%mul3A_2, %dma_wait3A_715, %dma_wait3A_723] : memref<327680x2x32xf32, #tpu.memory_space<hbm>> -> memref<128x1x32xf32, #tpu.memory_space<hbm>>
      %dma_wait3A_725 = tpu.memref_squeeze %dma_wait3A_724 : memref<128x1x32xf32, #tpu.memory_space<hbm>> -> memref<128x32xf32, #tpu.memory_space<hbm>>
      %dma_wait3A_726 = arith.constant 0 : i32
      %dma_wait3A_727 = arith.constant 0 : i32
      %dma_wait3A_728 = tpu.memref_slice %arg8[%dma_wait3A_714, %dma_wait3A_726, %dma_wait3A_727] : memref<8x128x32xf32, #tpu.memory_space<vmem>> -> memref<1x128x32xf32, #tpu.memory_space<vmem>>
      %dma_wait3A_729 = tpu.memref_squeeze %dma_wait3A_728 : memref<1x128x32xf32, #tpu.memory_space<vmem>> -> memref<128x32xf32, #tpu.memory_space<vmem>>
      tpu.wait_dma2 semaphore(%arg10 : memref<!tpu.dma_semaphore, #tpu.memory_space<semaphore_mem>>) src(%dma_wait3A_729 : memref<128x32xf32, #tpu.memory_space<vmem>>) dst(%dma_wait3A_725 : memref<128x32xf32, #tpu.memory_space<hbm>>)
      %jit3A_730 = arith.constant 2 : i32
      %div3A_731 = arith.divsi %add3A_713, %jit3A_730 : i32
      %sign3A_732 = arith.constant 0 : i32
      %sign3A_733 = arith.cmpi sgt, %add3A_713, %sign3A_732 : i32
      %sign3A_734 = arith.extui %sign3A_733 : i1 to i32
      %sign3A_735 = arith.constant 0 : i32
      %sign3A_736 = arith.cmpi slt, %add3A_713, %sign3A_735 : i32
      %sign3A_737 = arith.extui %sign3A_736 : i1 to i32
      %sign3A_738 = arith.subi %sign3A_734, %sign3A_737 : i32
      %sign3A_739 = arith.constant 0 : i32
      %sign3A_740 = arith.cmpi sgt, %jit3A_730, %sign3A_739 : i32
      %sign3A_741 = arith.extui %sign3A_740 : i1 to i32
      %sign3A_742 = arith.constant 0 : i32
      %sign3A_743 = arith.cmpi slt, %jit3A_730, %sign3A_742 : i32
      %sign3A_744 = arith.extui %sign3A_743 : i1 to i32
      %sign3A_745 = arith.subi %sign3A_741, %sign3A_744 : i32
      %ne3A_746 = arith.cmpi ne, %sign3A_738, %sign3A_745 : i32
      %rem3A_747 = arith.remsi %add3A_713, %jit3A_730 : i32
      %ne3A_748 = arith.constant 0 : i32
      %ne3A_749 = arith.cmpi ne, %rem3A_747, %ne3A_748 : i32
      %and3A_750 = arith.andi %ne3A_746, %ne3A_749 : i1
      %sub3A_751 = arith.constant 1 : i32
      %sub3A_752 = arith.subi %div3A_731, %sub3A_751 : i32
      %select_n3A_753 = arith.select %and3A_750, %sub3A_752, %div3A_731 : i32
      %mul3A_754 = arith.constant 128 : i32
      %mul3A_755 = arith.muli %select_n3A_753, %mul3A_754 : i32
      %dma_start3A_756 = arith.constant 2 : i32
      %dma_start3A_757 = arith.constant 0 : i32
      %dma_start3A_758 = arith.constant 0 : i32
      %dma_start3A_759 = tpu.memref_slice %arg8[%dma_start3A_756, %dma_start3A_757, %dma_start3A_758] : memref<8x128x32xf32, #tpu.memory_space<vmem>> -> memref<1x128x32xf32, #tpu.memory_space<vmem>>
      %dma_start3A_760 = tpu.memref_squeeze %dma_start3A_759 : memref<1x128x32xf32, #tpu.memory_space<vmem>> -> memref<128x32xf32, #tpu.memory_space<vmem>>
      %dma_start3A_761 = tpu.memref_slice %arg6[%mul3A_755] : memref<10240xi32, #tpu.memory_space<vmem>> -> memref<128xi32, #tpu.memory_space<vmem>>
      %dma_start3A_762 = arith.constant 0 : i32
      %dma_start3A_763 = arith.constant 0 : i32
      %dma_start3A_764 = tpu.memref_slice %arg3[%dma_start3A_762, %dma_start3A_763] : memref<2000000x32xf32, #tpu.memory_space<hbm>> -> memref<2000000x32xf32, #tpu.memory_space<hbm>>
      tpu.enqueue_indirect_dma source(%dma_start3A_764 : memref<2000000x32xf32, #tpu.memory_space<hbm>>) target(%dma_start3A_760 : memref<128x32xf32, #tpu.memory_space<vmem>>) offsets(%dma_start3A_761 : memref<128xi32, #tpu.memory_space<vmem>>) semaphore(%arg9 : memref<!tpu.dma_semaphore, #tpu.memory_space<semaphore_mem>>)
      %dma_wait3A_765 = arith.constant 6 : i32
      %dma_wait3A_766 = arith.constant 0 : i32
      %dma_wait3A_767 = arith.constant 0 : i32
      %dma_wait3A_768 = tpu.memref_slice %arg8[%dma_wait3A_765, %dma_wait3A_766, %dma_wait3A_767] : memref<8x128x32xf32, #tpu.memory_space<vmem>> -> memref<1x128x32xf32, #tpu.memory_space<vmem>>
      %dma_wait3A_769 = tpu.memref_squeeze %dma_wait3A_768 : memref<1x128x32xf32, #tpu.memory_space<vmem>> -> memref<128x32xf32, #tpu.memory_space<vmem>>
      %dma_wait3A_770 = arith.constant 0 : i32
      %dma_wait3A_771 = arith.constant 0 : i32
      %dma_wait3A_772 = tpu.memref_slice %arg3[%dma_wait3A_770, %dma_wait3A_771] : memref<2000000x32xf32, #tpu.memory_space<hbm>> -> memref<128x32xf32, #tpu.memory_space<hbm>>
      %dma_wait3A_773 = arith.constant 0 : i32
      %dma_wait3A_774 = arith.constant 0 : i32
      %dma_wait3A_775 = tpu.memref_slice %arg8[%dma_wait3A_765, %dma_wait3A_773, %dma_wait3A_774] : memref<8x128x32xf32, #tpu.memory_space<vmem>> -> memref<1x128x32xf32, #tpu.memory_space<vmem>>
      %dma_wait3A_776 = tpu.memref_squeeze %dma_wait3A_775 : memref<1x128x32xf32, #tpu.memory_space<vmem>> -> memref<128x32xf32, #tpu.memory_space<vmem>>
      %dma_wait3A_777 = arith.constant 0 : i32
      %dma_wait3A_778 = arith.constant 0 : i32
      %dma_wait3A_779 = tpu.memref_slice %arg3[%dma_wait3A_777, %dma_wait3A_778] : memref<2000000x32xf32, #tpu.memory_space<hbm>> -> memref<128x32xf32, #tpu.memory_space<hbm>>
      tpu.wait_dma2 semaphore(%arg9 : memref<!tpu.dma_semaphore, #tpu.memory_space<semaphore_mem>>) src(%dma_wait3A_779 : memref<128x32xf32, #tpu.memory_space<hbm>>) dst(%dma_wait3A_776 : memref<128x32xf32, #tpu.memory_space<vmem>>)
      %sub3A_780 = arith.constant 4 : i32
      %sub3A_781 = arith.subi %add3A_713, %sub3A_780 : i32
      %jit3A_782 = arith.constant 2 : i32
      %div3A_783 = arith.divsi %sub3A_781, %jit3A_782 : i32
      %sign3A_784 = arith.constant 0 : i32
      %sign3A_785 = arith.cmpi sgt, %sub3A_781, %sign3A_784 : i32
      %sign3A_786 = arith.extui %sign3A_785 : i1 to i32
      %sign3A_787 = arith.constant 0 : i32
      %sign3A_788 = arith.cmpi slt, %sub3A_781, %sign3A_787 : i32
      %sign3A_789 = arith.extui %sign3A_788 : i1 to i32
      %sign3A_790 = arith.subi %sign3A_786, %sign3A_789 : i32
      %sign3A_791 = arith.constant 0 : i32
      %sign3A_792 = arith.cmpi sgt, %jit3A_782, %sign3A_791 : i32
      %sign3A_793 = arith.extui %sign3A_792 : i1 to i32
      %sign3A_794 = arith.constant 0 : i32
      %sign3A_795 = arith.cmpi slt, %jit3A_782, %sign3A_794 : i32
      %sign3A_796 = arith.extui %sign3A_795 : i1 to i32
      %sign3A_797 = arith.subi %sign3A_793, %sign3A_796 : i32
      %ne3A_798 = arith.cmpi ne, %sign3A_790, %sign3A_797 : i32
      %rem3A_799 = arith.remsi %sub3A_781, %jit3A_782 : i32
      %ne3A_800 = arith.constant 0 : i32
      %ne3A_801 = arith.cmpi ne, %rem3A_799, %ne3A_800 : i32
      %and3A_802 = arith.andi %ne3A_798, %ne3A_801 : i1
      %sub3A_803 = arith.constant 1 : i32
      %sub3A_804 = arith.subi %div3A_783, %sub3A_803 : i32
      %select_n3A_805 = arith.select %and3A_802, %sub3A_804, %div3A_783 : i32
      %mul3A_806 = arith.constant 128 : i32
      %mul3A_807 = arith.muli %select_n3A_805, %mul3A_806 : i32
      %add3A_808 = arith.addi %mul3A_2, %mul3A_807 : i32
      %dma_start3A_809 = arith.constant 6 : i32
      %dma_start3A_810 = arith.constant 0 : i32
      %dma_start3A_811 = arith.constant 0 : i32
      %dma_start3A_812 = arith.constant 0 : i32
      %dma_start3A_813 = tpu.memref_slice %arg8[%dma_start3A_809, %dma_start3A_811, %dma_start3A_812] : memref<8x128x32xf32, #tpu.memory_space<vmem>> -> memref<1x128x32xf32, #tpu.memory_space<vmem>>
      %dma_start3A_814 = tpu.memref_squeeze %dma_start3A_813 : memref<1x128x32xf32, #tpu.memory_space<vmem>> -> memref<128x32xf32, #tpu.memory_space<vmem>>
      %dma_start3A_815 = arith.constant 0 : i32
      %dma_start3A_816 = tpu.memref_slice %arg4[%add3A_808, %dma_start3A_810, %dma_start3A_815] : memref<327680x2x32xf32, #tpu.memory_space<hbm>> -> memref<128x1x32xf32, #tpu.memory_space<hbm>>
      %dma_start3A_817 = tpu.memref_squeeze %dma_start3A_816 : memref<128x1x32xf32, #tpu.memory_space<hbm>> -> memref<128x32xf32, #tpu.memory_space<hbm>>
      %dma_start3A_818 = arith.constant 0 : i32
      %dma_start3A_819 = tpu.memref_slice %arg4[%add3A_808, %dma_start3A_810, %dma_start3A_818] : memref<327680x2x32xf32, #tpu.memory_space<hbm>> -> memref<128x1x32xf32, #tpu.memory_space<hbm>>
      %dma_start3A_820 = tpu.memref_squeeze %dma_start3A_819 : memref<128x1x32xf32, #tpu.memory_space<hbm>> -> memref<128x32xf32, #tpu.memory_space<hbm>>
      %dma_start3A_821 = arith.constant 0 : i32
      %dma_start3A_822 = arith.constant 0 : i32
      %dma_start3A_823 = tpu.memref_slice %arg8[%dma_start3A_809, %dma_start3A_821, %dma_start3A_822] : memref<8x128x32xf32, #tpu.memory_space<vmem>> -> memref<1x128x32xf32, #tpu.memory_space<vmem>>
      %dma_start3A_824 = tpu.memref_squeeze %dma_start3A_823 : memref<1x128x32xf32, #tpu.memory_space<vmem>> -> memref<128x32xf32, #tpu.memory_space<vmem>>
      tpu.enqueue_dma source(%dma_start3A_824 : memref<128x32xf32, #tpu.memory_space<vmem>>) target(%dma_start3A_820 : memref<128x32xf32, #tpu.memory_space<hbm>>) target_semaphore(%arg10 : memref<!tpu.dma_semaphore, #tpu.memory_space<semaphore_mem>>)
      %mul3A_825 = arith.constant 8 : i32
      %mul3A_826 = arith.muli %scan3A_486, %mul3A_825 : i32
      %add3A_827 = arith.constant 3 : i32
      %add3A_828 = arith.addi %mul3A_826, %add3A_827 : i32
      %dma_wait3A_829 = arith.constant 3 : i32
      %dma_wait3A_830 = arith.constant 0 : i32
      %dma_wait3A_831 = arith.constant 0 : i32
      %dma_wait3A_832 = arith.constant 0 : i32
      %dma_wait3A_833 = tpu.memref_slice %arg8[%dma_wait3A_829, %dma_wait3A_831, %dma_wait3A_832] : memref<8x128x32xf32, #tpu.memory_space<vmem>> -> memref<1x128x32xf32, #tpu.memory_space<vmem>>
      %dma_wait3A_834 = tpu.memref_squeeze %dma_wait3A_833 : memref<1x128x32xf32, #tpu.memory_space<vmem>> -> memref<128x32xf32, #tpu.memory_space<vmem>>
      %dma_wait3A_835 = arith.constant 0 : i32
      %dma_wait3A_836 = tpu.memref_slice %arg4[%mul3A_2, %dma_wait3A_830, %dma_wait3A_835] : memref<327680x2x32xf32, #tpu.memory_space<hbm>> -> memref<128x1x32xf32, #tpu.memory_space<hbm>>
      %dma_wait3A_837 = tpu.memref_squeeze %dma_wait3A_836 : memref<128x1x32xf32, #tpu.memory_space<hbm>> -> memref<128x32xf32, #tpu.memory_space<hbm>>
      %dma_wait3A_838 = arith.constant 0 : i32
      %dma_wait3A_839 = tpu.memref_slice %arg4[%mul3A_2, %dma_wait3A_830, %dma_wait3A_838] : memref<327680x2x32xf32, #tpu.memory_space<hbm>> -> memref<128x1x32xf32, #tpu.memory_space<hbm>>
      %dma_wait3A_840 = tpu.memref_squeeze %dma_wait3A_839 : memref<128x1x32xf32, #tpu.memory_space<hbm>> -> memref<128x32xf32, #tpu.memory_space<hbm>>
      %dma_wait3A_841 = arith.constant 0 : i32
      %dma_wait3A_842 = arith.constant 0 : i32
      %dma_wait3A_843 = tpu.memref_slice %arg8[%dma_wait3A_829, %dma_wait3A_841, %dma_wait3A_842] : memref<8x128x32xf32, #tpu.memory_space<vmem>> -> memref<1x128x32xf32, #tpu.memory_space<vmem>>
      %dma_wait3A_844 = tpu.memref_squeeze %dma_wait3A_843 : memref<1x128x32xf32, #tpu.memory_space<vmem>> -> memref<128x32xf32, #tpu.memory_space<vmem>>
      tpu.wait_dma2 semaphore(%arg10 : memref<!tpu.dma_semaphore, #tpu.memory_space<semaphore_mem>>) src(%dma_wait3A_844 : memref<128x32xf32, #tpu.memory_space<vmem>>) dst(%dma_wait3A_840 : memref<128x32xf32, #tpu.memory_space<hbm>>)
      %jit3A_845 = arith.constant 2 : i32
      %div3A_846 = arith.divsi %add3A_828, %jit3A_845 : i32
      %sign3A_847 = arith.constant 0 : i32
      %sign3A_848 = arith.cmpi sgt, %add3A_828, %sign3A_847 : i32
      %sign3A_849 = arith.extui %sign3A_848 : i1 to i32
      %sign3A_850 = arith.constant 0 : i32
      %sign3A_851 = arith.cmpi slt, %add3A_828, %sign3A_850 : i32
      %sign3A_852 = arith.extui %sign3A_851 : i1 to i32
      %sign3A_853 = arith.subi %sign3A_849, %sign3A_852 : i32
      %sign3A_854 = arith.constant 0 : i32
      %sign3A_855 = arith.cmpi sgt, %jit3A_845, %sign3A_854 : i32
      %sign3A_856 = arith.extui %sign3A_855 : i1 to i32
      %sign3A_857 = arith.constant 0 : i32
      %sign3A_858 = arith.cmpi slt, %jit3A_845, %sign3A_857 : i32
      %sign3A_859 = arith.extui %sign3A_858 : i1 to i32
      %sign3A_860 = arith.subi %sign3A_856, %sign3A_859 : i32
      %ne3A_861 = arith.cmpi ne, %sign3A_853, %sign3A_860 : i32
      %rem3A_862 = arith.remsi %add3A_828, %jit3A_845 : i32
      %ne3A_863 = arith.constant 0 : i32
      %ne3A_864 = arith.cmpi ne, %rem3A_862, %ne3A_863 : i32
      %and3A_865 = arith.andi %ne3A_861, %ne3A_864 : i1
      %sub3A_866 = arith.constant 1 : i32
      %sub3A_867 = arith.subi %div3A_846, %sub3A_866 : i32
      %select_n3A_868 = arith.select %and3A_865, %sub3A_867, %div3A_846 : i32
      %mul3A_869 = arith.constant 128 : i32
      %mul3A_870 = arith.muli %select_n3A_868, %mul3A_869 : i32
      %dma_start3A_871 = arith.constant 3 : i32
      %dma_start3A_872 = arith.constant 0 : i32
      %dma_start3A_873 = arith.constant 0 : i32
      %dma_start3A_874 = tpu.memref_slice %arg8[%dma_start3A_871, %dma_start3A_872, %dma_start3A_873] : memref<8x128x32xf32, #tpu.memory_space<vmem>> -> memref<1x128x32xf32, #tpu.memory_space<vmem>>
      %dma_start3A_875 = tpu.memref_squeeze %dma_start3A_874 : memref<1x128x32xf32, #tpu.memory_space<vmem>> -> memref<128x32xf32, #tpu.memory_space<vmem>>
      %dma_start3A_876 = tpu.memref_slice %arg7[%mul3A_870] : memref<10240xi32, #tpu.memory_space<vmem>> -> memref<128xi32, #tpu.memory_space<vmem>>
      %dma_start3A_877 = arith.constant 0 : i32
      %dma_start3A_878 = arith.constant 0 : i32
      %dma_start3A_879 = tpu.memref_slice %arg3[%dma_start3A_877, %dma_start3A_878] : memref<2000000x32xf32, #tpu.memory_space<hbm>> -> memref<2000000x32xf32, #tpu.memory_space<hbm>>
      tpu.enqueue_indirect_dma source(%dma_start3A_879 : memref<2000000x32xf32, #tpu.memory_space<hbm>>) target(%dma_start3A_875 : memref<128x32xf32, #tpu.memory_space<vmem>>) offsets(%dma_start3A_876 : memref<128xi32, #tpu.memory_space<vmem>>) semaphore(%arg9 : memref<!tpu.dma_semaphore, #tpu.memory_space<semaphore_mem>>)
      %dma_wait3A_880 = arith.constant 7 : i32
      %dma_wait3A_881 = arith.constant 0 : i32
      %dma_wait3A_882 = arith.constant 0 : i32
      %dma_wait3A_883 = tpu.memref_slice %arg8[%dma_wait3A_880, %dma_wait3A_881, %dma_wait3A_882] : memref<8x128x32xf32, #tpu.memory_space<vmem>> -> memref<1x128x32xf32, #tpu.memory_space<vmem>>
      %dma_wait3A_884 = tpu.memref_squeeze %dma_wait3A_883 : memref<1x128x32xf32, #tpu.memory_space<vmem>> -> memref<128x32xf32, #tpu.memory_space<vmem>>
      %dma_wait3A_885 = arith.constant 0 : i32
      %dma_wait3A_886 = arith.constant 0 : i32
      %dma_wait3A_887 = tpu.memref_slice %arg3[%dma_wait3A_885, %dma_wait3A_886] : memref<2000000x32xf32, #tpu.memory_space<hbm>> -> memref<128x32xf32, #tpu.memory_space<hbm>>
      %dma_wait3A_888 = arith.constant 0 : i32
      %dma_wait3A_889 = arith.constant 0 : i32
      %dma_wait3A_890 = tpu.memref_slice %arg8[%dma_wait3A_880, %dma_wait3A_888, %dma_wait3A_889] : memref<8x128x32xf32, #tpu.memory_space<vmem>> -> memref<1x128x32xf32, #tpu.memory_space<vmem>>
      %dma_wait3A_891 = tpu.memref_squeeze %dma_wait3A_890 : memref<1x128x32xf32, #tpu.memory_space<vmem>> -> memref<128x32xf32, #tpu.memory_space<vmem>>
      %dma_wait3A_892 = arith.constant 0 : i32
      %dma_wait3A_893 = arith.constant 0 : i32
      %dma_wait3A_894 = tpu.memref_slice %arg3[%dma_wait3A_892, %dma_wait3A_893] : memref<2000000x32xf32, #tpu.memory_space<hbm>> -> memref<128x32xf32, #tpu.memory_space<hbm>>
      tpu.wait_dma2 semaphore(%arg9 : memref<!tpu.dma_semaphore, #tpu.memory_space<semaphore_mem>>) src(%dma_wait3A_894 : memref<128x32xf32, #tpu.memory_space<hbm>>) dst(%dma_wait3A_891 : memref<128x32xf32, #tpu.memory_space<vmem>>)
      %sub3A_895 = arith.constant 4 : i32
      %sub3A_896 = arith.subi %add3A_828, %sub3A_895 : i32
      %jit3A_897 = arith.constant 2 : i32
      %div3A_898 = arith.divsi %sub3A_896, %jit3A_897 : i32
      %sign3A_899 = arith.constant 0 : i32
      %sign3A_900 = arith.cmpi sgt, %sub3A_896, %sign3A_899 : i32
      %sign3A_901 = arith.extui %sign3A_900 : i1 to i32
      %sign3A_902 = arith.constant 0 : i32
      %sign3A_903 = arith.cmpi slt, %sub3A_896, %sign3A_902 : i32
      %sign3A_904 = arith.extui %sign3A_903 : i1 to i32
      %sign3A_905 = arith.subi %sign3A_901, %sign3A_904 : i32
      %sign3A_906 = arith.constant 0 : i32
      %sign3A_907 = arith.cmpi sgt, %jit3A_897, %sign3A_906 : i32
      %sign3A_908 = arith.extui %sign3A_907 : i1 to i32
      %sign3A_909 = arith.constant 0 : i32
      %sign3A_910 = arith.cmpi slt, %jit3A_897, %sign3A_909 : i32
      %sign3A_911 = arith.extui %sign3A_910 : i1 to i32
      %sign3A_912 = arith.subi %sign3A_908, %sign3A_911 : i32
      %ne3A_913 = arith.cmpi ne, %sign3A_905, %sign3A_912 : i32
      %rem3A_914 = arith.remsi %sub3A_896, %jit3A_897 : i32
      %ne3A_915 = arith.constant 0 : i32
      %ne3A_916 = arith.cmpi ne, %rem3A_914, %ne3A_915 : i32
      %and3A_917 = arith.andi %ne3A_913, %ne3A_916 : i1
      %sub3A_918 = arith.constant 1 : i32
      %sub3A_919 = arith.subi %div3A_898, %sub3A_918 : i32
      %select_n3A_920 = arith.select %and3A_917, %sub3A_919, %div3A_898 : i32
      %mul3A_921 = arith.constant 128 : i32
      %mul3A_922 = arith.muli %select_n3A_920, %mul3A_921 : i32
      %add3A_923 = arith.addi %mul3A_2, %mul3A_922 : i32
      %dma_start3A_924 = arith.constant 7 : i32
      %dma_start3A_925 = arith.constant 1 : i32
      %dma_start3A_926 = arith.constant 0 : i32
      %dma_start3A_927 = arith.constant 0 : i32
      %dma_start3A_928 = tpu.memref_slice %arg8[%dma_start3A_924, %dma_start3A_926, %dma_start3A_927] : memref<8x128x32xf32, #tpu.memory_space<vmem>> -> memref<1x128x32xf32, #tpu.memory_space<vmem>>
      %dma_start3A_929 = tpu.memref_squeeze %dma_start3A_928 : memref<1x128x32xf32, #tpu.memory_space<vmem>> -> memref<128x32xf32, #tpu.memory_space<vmem>>
      %dma_start3A_930 = arith.constant 0 : i32
      %dma_start3A_931 = tpu.memref_slice %arg4[%add3A_923, %dma_start3A_925, %dma_start3A_930] : memref<327680x2x32xf32, #tpu.memory_space<hbm>> -> memref<128x1x32xf32, #tpu.memory_space<hbm>>
      %dma_start3A_932 = tpu.memref_squeeze %dma_start3A_931 : memref<128x1x32xf32, #tpu.memory_space<hbm>> -> memref<128x32xf32, #tpu.memory_space<hbm>>
      %dma_start3A_933 = arith.constant 0 : i32
      %dma_start3A_934 = tpu.memref_slice %arg4[%add3A_923, %dma_start3A_925, %dma_start3A_933] : memref<327680x2x32xf32, #tpu.memory_space<hbm>> -> memref<128x1x32xf32, #tpu.memory_space<hbm>>
      %dma_start3A_935 = tpu.memref_squeeze %dma_start3A_934 : memref<128x1x32xf32, #tpu.memory_space<hbm>> -> memref<128x32xf32, #tpu.memory_space<hbm>>
      %dma_start3A_936 = arith.constant 0 : i32
      %dma_start3A_937 = arith.constant 0 : i32
      %dma_start3A_938 = tpu.memref_slice %arg8[%dma_start3A_924, %dma_start3A_936, %dma_start3A_937] : memref<8x128x32xf32, #tpu.memory_space<vmem>> -> memref<1x128x32xf32, #tpu.memory_space<vmem>>
      %dma_start3A_939 = tpu.memref_squeeze %dma_start3A_938 : memref<1x128x32xf32, #tpu.memory_space<vmem>> -> memref<128x32xf32, #tpu.memory_space<vmem>>
      tpu.enqueue_dma source(%dma_start3A_939 : memref<128x32xf32, #tpu.memory_space<vmem>>) target(%dma_start3A_935 : memref<128x32xf32, #tpu.memory_space<hbm>>) target_semaphore(%arg10 : memref<!tpu.dma_semaphore, #tpu.memory_space<semaphore_mem>>)
      %mul3A_940 = arith.constant 8 : i32
      %mul3A_941 = arith.muli %scan3A_486, %mul3A_940 : i32
      %add3A_942 = arith.constant 4 : i32
      %add3A_943 = arith.addi %mul3A_941, %add3A_942 : i32
      %dma_wait3A_944 = arith.constant 4 : i32
      %dma_wait3A_945 = arith.constant 0 : i32
      %dma_wait3A_946 = arith.constant 0 : i32
      %dma_wait3A_947 = arith.constant 0 : i32
      %dma_wait3A_948 = tpu.memref_slice %arg8[%dma_wait3A_944, %dma_wait3A_946, %dma_wait3A_947] : memref<8x128x32xf32, #tpu.memory_space<vmem>> -> memref<1x128x32xf32, #tpu.memory_space<vmem>>
      %dma_wait3A_949 = tpu.memref_squeeze %dma_wait3A_948 : memref<1x128x32xf32, #tpu.memory_space<vmem>> -> memref<128x32xf32, #tpu.memory_space<vmem>>
      %dma_wait3A_950 = arith.constant 0 : i32
      %dma_wait3A_951 = tpu.memref_slice %arg4[%mul3A_2, %dma_wait3A_945, %dma_wait3A_950] : memref<327680x2x32xf32, #tpu.memory_space<hbm>> -> memref<128x1x32xf32, #tpu.memory_space<hbm>>
      %dma_wait3A_952 = tpu.memref_squeeze %dma_wait3A_951 : memref<128x1x32xf32, #tpu.memory_space<hbm>> -> memref<128x32xf32, #tpu.memory_space<hbm>>
      %dma_wait3A_953 = arith.constant 0 : i32
      %dma_wait3A_954 = tpu.memref_slice %arg4[%mul3A_2, %dma_wait3A_945, %dma_wait3A_953] : memref<327680x2x32xf32, #tpu.memory_space<hbm>> -> memref<128x1x32xf32, #tpu.memory_space<hbm>>
      %dma_wait3A_955 = tpu.memref_squeeze %dma_wait3A_954 : memref<128x1x32xf32, #tpu.memory_space<hbm>> -> memref<128x32xf32, #tpu.memory_space<hbm>>
      %dma_wait3A_956 = arith.constant 0 : i32
      %dma_wait3A_957 = arith.constant 0 : i32
      %dma_wait3A_958 = tpu.memref_slice %arg8[%dma_wait3A_944, %dma_wait3A_956, %dma_wait3A_957] : memref<8x128x32xf32, #tpu.memory_space<vmem>> -> memref<1x128x32xf32, #tpu.memory_space<vmem>>
      %dma_wait3A_959 = tpu.memref_squeeze %dma_wait3A_958 : memref<1x128x32xf32, #tpu.memory_space<vmem>> -> memref<128x32xf32, #tpu.memory_space<vmem>>
      tpu.wait_dma2 semaphore(%arg10 : memref<!tpu.dma_semaphore, #tpu.memory_space<semaphore_mem>>) src(%dma_wait3A_959 : memref<128x32xf32, #tpu.memory_space<vmem>>) dst(%dma_wait3A_955 : memref<128x32xf32, #tpu.memory_space<hbm>>)
      %jit3A_960 = arith.constant 2 : i32
      %div3A_961 = arith.divsi %add3A_943, %jit3A_960 : i32
      %sign3A_962 = arith.constant 0 : i32
      %sign3A_963 = arith.cmpi sgt, %add3A_943, %sign3A_962 : i32
      %sign3A_964 = arith.extui %sign3A_963 : i1 to i32
      %sign3A_965 = arith.constant 0 : i32
      %sign3A_966 = arith.cmpi slt, %add3A_943, %sign3A_965 : i32
      %sign3A_967 = arith.extui %sign3A_966 : i1 to i32
      %sign3A_968 = arith.subi %sign3A_964, %sign3A_967 : i32
      %sign3A_969 = arith.constant 0 : i32
      %sign3A_970 = arith.cmpi sgt, %jit3A_960, %sign3A_969 : i32
      %sign3A_971 = arith.extui %sign3A_970 : i1 to i32
      %sign3A_972 = arith.constant 0 : i32
      %sign3A_973 = arith.cmpi slt, %jit3A_960, %sign3A_972 : i32
      %sign3A_974 = arith.extui %sign3A_973 : i1 to i32
      %sign3A_975 = arith.subi %sign3A_971, %sign3A_974 : i32
      %ne3A_976 = arith.cmpi ne, %sign3A_968, %sign3A_975 : i32
      %rem3A_977 = arith.remsi %add3A_943, %jit3A_960 : i32
      %ne3A_978 = arith.constant 0 : i32
      %ne3A_979 = arith.cmpi ne, %rem3A_977, %ne3A_978 : i32
      %and3A_980 = arith.andi %ne3A_976, %ne3A_979 : i1
      %sub3A_981 = arith.constant 1 : i32
      %sub3A_982 = arith.subi %div3A_961, %sub3A_981 : i32
      %select_n3A_983 = arith.select %and3A_980, %sub3A_982, %div3A_961 : i32
      %mul3A_984 = arith.constant 128 : i32
      %mul3A_985 = arith.muli %select_n3A_983, %mul3A_984 : i32
      %dma_start3A_986 = arith.constant 4 : i32
      %dma_start3A_987 = arith.constant 0 : i32
      %dma_start3A_988 = arith.constant 0 : i32
      %dma_start3A_989 = tpu.memref_slice %arg8[%dma_start3A_986, %dma_start3A_987, %dma_start3A_988] : memref<8x128x32xf32, #tpu.memory_space<vmem>> -> memref<1x128x32xf32, #tpu.memory_space<vmem>>
      %dma_start3A_990 = tpu.memref_squeeze %dma_start3A_989 : memref<1x128x32xf32, #tpu.memory_space<vmem>> -> memref<128x32xf32, #tpu.memory_space<vmem>>
      %dma_start3A_991 = tpu.memref_slice %arg6[%mul3A_985] : memref<10240xi32, #tpu.memory_space<vmem>> -> memref<128xi32, #tpu.memory_space<vmem>>
      %dma_start3A_992 = arith.constant 0 : i32
      %dma_start3A_993 = arith.constant 0 : i32
      %dma_start3A_994 = tpu.memref_slice %arg3[%dma_start3A_992, %dma_start3A_993] : memref<2000000x32xf32, #tpu.memory_space<hbm>> -> memref<2000000x32xf32, #tpu.memory_space<hbm>>
      tpu.enqueue_indirect_dma source(%dma_start3A_994 : memref<2000000x32xf32, #tpu.memory_space<hbm>>) target(%dma_start3A_990 : memref<128x32xf32, #tpu.memory_space<vmem>>) offsets(%dma_start3A_991 : memref<128xi32, #tpu.memory_space<vmem>>) semaphore(%arg9 : memref<!tpu.dma_semaphore, #tpu.memory_space<semaphore_mem>>)
      %dma_wait3A_995 = arith.constant 0 : i32
      %dma_wait3A_996 = arith.constant 0 : i32
      %dma_wait3A_997 = arith.constant 0 : i32
      %dma_wait3A_998 = tpu.memref_slice %arg8[%dma_wait3A_995, %dma_wait3A_996, %dma_wait3A_997] : memref<8x128x32xf32, #tpu.memory_space<vmem>> -> memref<1x128x32xf32, #tpu.memory_space<vmem>>
      %dma_wait3A_999 = tpu.memref_squeeze %dma_wait3A_998 : memref<1x128x32xf32, #tpu.memory_space<vmem>> -> memref<128x32xf32, #tpu.memory_space<vmem>>
      %dma_wait3A_1000 = arith.constant 0 : i32
      %dma_wait3A_1001 = arith.constant 0 : i32
      %dma_wait3A_1002 = tpu.memref_slice %arg3[%dma_wait3A_1000, %dma_wait3A_1001] : memref<2000000x32xf32, #tpu.memory_space<hbm>> -> memref<128x32xf32, #tpu.memory_space<hbm>>
      %dma_wait3A_1003 = arith.constant 0 : i32
      %dma_wait3A_1004 = arith.constant 0 : i32
      %dma_wait3A_1005 = tpu.memref_slice %arg8[%dma_wait3A_995, %dma_wait3A_1003, %dma_wait3A_1004] : memref<8x128x32xf32, #tpu.memory_space<vmem>> -> memref<1x128x32xf32, #tpu.memory_space<vmem>>
      %dma_wait3A_1006 = tpu.memref_squeeze %dma_wait3A_1005 : memref<1x128x32xf32, #tpu.memory_space<vmem>> -> memref<128x32xf32, #tpu.memory_space<vmem>>
      %dma_wait3A_1007 = arith.constant 0 : i32
      %dma_wait3A_1008 = arith.constant 0 : i32
      %dma_wait3A_1009 = tpu.memref_slice %arg3[%dma_wait3A_1007, %dma_wait3A_1008] : memref<2000000x32xf32, #tpu.memory_space<hbm>> -> memref<128x32xf32, #tpu.memory_space<hbm>>
      tpu.wait_dma2 semaphore(%arg9 : memref<!tpu.dma_semaphore, #tpu.memory_space<semaphore_mem>>) src(%dma_wait3A_1009 : memref<128x32xf32, #tpu.memory_space<hbm>>) dst(%dma_wait3A_1006 : memref<128x32xf32, #tpu.memory_space<vmem>>)
      %sub3A_1010 = arith.constant 4 : i32
      %sub3A_1011 = arith.subi %add3A_943, %sub3A_1010 : i32
      %jit3A_1012 = arith.constant 2 : i32
      %div3A_1013 = arith.divsi %sub3A_1011, %jit3A_1012 : i32
      %sign3A_1014 = arith.constant 0 : i32
      %sign3A_1015 = arith.cmpi sgt, %sub3A_1011, %sign3A_1014 : i32
      %sign3A_1016 = arith.extui %sign3A_1015 : i1 to i32
      %sign3A_1017 = arith.constant 0 : i32
      %sign3A_1018 = arith.cmpi slt, %sub3A_1011, %sign3A_1017 : i32
      %sign3A_1019 = arith.extui %sign3A_1018 : i1 to i32
      %sign3A_1020 = arith.subi %sign3A_1016, %sign3A_1019 : i32
      %sign3A_1021 = arith.constant 0 : i32
      %sign3A_1022 = arith.cmpi sgt, %jit3A_1012, %sign3A_1021 : i32
      %sign3A_1023 = arith.extui %sign3A_1022 : i1 to i32
      %sign3A_1024 = arith.constant 0 : i32
      %sign3A_1025 = arith.cmpi slt, %jit3A_1012, %sign3A_1024 : i32
      %sign3A_1026 = arith.extui %sign3A_1025 : i1 to i32
      %sign3A_1027 = arith.subi %sign3A_1023, %sign3A_1026 : i32
      %ne3A_1028 = arith.cmpi ne, %sign3A_1020, %sign3A_1027 : i32
      %rem3A_1029 = arith.remsi %sub3A_1011, %jit3A_1012 : i32
      %ne3A_1030 = arith.constant 0 : i32
      %ne3A_1031 = arith.cmpi ne, %rem3A_1029, %ne3A_1030 : i32
      %and3A_1032 = arith.andi %ne3A_1028, %ne3A_1031 : i1
      %sub3A_1033 = arith.constant 1 : i32
      %sub3A_1034 = arith.subi %div3A_1013, %sub3A_1033 : i32
      %select_n3A_1035 = arith.select %and3A_1032, %sub3A_1034, %div3A_1013 : i32
      %mul3A_1036 = arith.constant 128 : i32
      %mul3A_1037 = arith.muli %select_n3A_1035, %mul3A_1036 : i32
      %add3A_1038 = arith.addi %mul3A_2, %mul3A_1037 : i32
      %dma_start3A_1039 = arith.constant 0 : i32
      %dma_start3A_1040 = arith.constant 0 : i32
      %dma_start3A_1041 = arith.constant 0 : i32
      %dma_start3A_1042 = arith.constant 0 : i32
      %dma_start3A_1043 = tpu.memref_slice %arg8[%dma_start3A_1039, %dma_start3A_1041, %dma_start3A_1042] : memref<8x128x32xf32, #tpu.memory_space<vmem>> -> memref<1x128x32xf32, #tpu.memory_space<vmem>>
      %dma_start3A_1044 = tpu.memref_squeeze %dma_start3A_1043 : memref<1x128x32xf32, #tpu.memory_space<vmem>> -> memref<128x32xf32, #tpu.memory_space<vmem>>
      %dma_start3A_1045 = arith.constant 0 : i32
      %dma_start3A_1046 = tpu.memref_slice %arg4[%add3A_1038, %dma_start3A_1040, %dma_start3A_1045] : memref<327680x2x32xf32, #tpu.memory_space<hbm>> -> memref<128x1x32xf32, #tpu.memory_space<hbm>>
      %dma_start3A_1047 = tpu.memref_squeeze %dma_start3A_1046 : memref<128x1x32xf32, #tpu.memory_space<hbm>> -> memref<128x32xf32, #tpu.memory_space<hbm>>
      %dma_start3A_1048 = arith.constant 0 : i32
      %dma_start3A_1049 = tpu.memref_slice %arg4[%add3A_1038, %dma_start3A_1040, %dma_start3A_1048] : memref<327680x2x32xf32, #tpu.memory_space<hbm>> -> memref<128x1x32xf32, #tpu.memory_space<hbm>>
      %dma_start3A_1050 = tpu.memref_squeeze %dma_start3A_1049 : memref<128x1x32xf32, #tpu.memory_space<hbm>> -> memref<128x32xf32, #tpu.memory_space<hbm>>
      %dma_start3A_1051 = arith.constant 0 : i32
      %dma_start3A_1052 = arith.constant 0 : i32
      %dma_start3A_1053 = tpu.memref_slice %arg8[%dma_start3A_1039, %dma_start3A_1051, %dma_start3A_1052] : memref<8x128x32xf32, #tpu.memory_space<vmem>> -> memref<1x128x32xf32, #tpu.memory_space<vmem>>
      %dma_start3A_1054 = tpu.memref_squeeze %dma_start3A_1053 : memref<1x128x32xf32, #tpu.memory_space<vmem>> -> memref<128x32xf32, #tpu.memory_space<vmem>>
      tpu.enqueue_dma source(%dma_start3A_1054 : memref<128x32xf32, #tpu.memory_space<vmem>>) target(%dma_start3A_1050 : memref<128x32xf32, #tpu.memory_space<hbm>>) target_semaphore(%arg10 : memref<!tpu.dma_semaphore, #tpu.memory_space<semaphore_mem>>)
      %mul3A_1055 = arith.constant 8 : i32
      %mul3A_1056 = arith.muli %scan3A_486, %mul3A_1055 : i32
      %add3A_1057 = arith.constant 5 : i32
      %add3A_1058 = arith.addi %mul3A_1056, %add3A_1057 : i32
      %dma_wait3A_1059 = arith.constant 5 : i32
      %dma_wait3A_1060 = arith.constant 0 : i32
      %dma_wait3A_1061 = arith.constant 0 : i32
      %dma_wait3A_1062 = arith.constant 0 : i32
      %dma_wait3A_1063 = tpu.memref_slice %arg8[%dma_wait3A_1059, %dma_wait3A_1061, %dma_wait3A_1062] : memref<8x128x32xf32, #tpu.memory_space<vmem>> -> memref<1x128x32xf32, #tpu.memory_space<vmem>>
      %dma_wait3A_1064 = tpu.memref_squeeze %dma_wait3A_1063 : memref<1x128x32xf32, #tpu.memory_space<vmem>> -> memref<128x32xf32, #tpu.memory_space<vmem>>
      %dma_wait3A_1065 = arith.constant 0 : i32
      %dma_wait3A_1066 = tpu.memref_slice %arg4[%mul3A_2, %dma_wait3A_1060, %dma_wait3A_1065] : memref<327680x2x32xf32, #tpu.memory_space<hbm>> -> memref<128x1x32xf32, #tpu.memory_space<hbm>>
      %dma_wait3A_1067 = tpu.memref_squeeze %dma_wait3A_1066 : memref<128x1x32xf32, #tpu.memory_space<hbm>> -> memref<128x32xf32, #tpu.memory_space<hbm>>
      %dma_wait3A_1068 = arith.constant 0 : i32
      %dma_wait3A_1069 = tpu.memref_slice %arg4[%mul3A_2, %dma_wait3A_1060, %dma_wait3A_1068] : memref<327680x2x32xf32, #tpu.memory_space<hbm>> -> memref<128x1x32xf32, #tpu.memory_space<hbm>>
      %dma_wait3A_1070 = tpu.memref_squeeze %dma_wait3A_1069 : memref<128x1x32xf32, #tpu.memory_space<hbm>> -> memref<128x32xf32, #tpu.memory_space<hbm>>
      %dma_wait3A_1071 = arith.constant 0 : i32
      %dma_wait3A_1072 = arith.constant 0 : i32
      %dma_wait3A_1073 = tpu.memref_slice %arg8[%dma_wait3A_1059, %dma_wait3A_1071, %dma_wait3A_1072] : memref<8x128x32xf32, #tpu.memory_space<vmem>> -> memref<1x128x32xf32, #tpu.memory_space<vmem>>
      %dma_wait3A_1074 = tpu.memref_squeeze %dma_wait3A_1073 : memref<1x128x32xf32, #tpu.memory_space<vmem>> -> memref<128x32xf32, #tpu.memory_space<vmem>>
      tpu.wait_dma2 semaphore(%arg10 : memref<!tpu.dma_semaphore, #tpu.memory_space<semaphore_mem>>) src(%dma_wait3A_1074 : memref<128x32xf32, #tpu.memory_space<vmem>>) dst(%dma_wait3A_1070 : memref<128x32xf32, #tpu.memory_space<hbm>>)
      %jit3A_1075 = arith.constant 2 : i32
      %div3A_1076 = arith.divsi %add3A_1058, %jit3A_1075 : i32
      %sign3A_1077 = arith.constant 0 : i32
      %sign3A_1078 = arith.cmpi sgt, %add3A_1058, %sign3A_1077 : i32
      %sign3A_1079 = arith.extui %sign3A_1078 : i1 to i32
      %sign3A_1080 = arith.constant 0 : i32
      %sign3A_1081 = arith.cmpi slt, %add3A_1058, %sign3A_1080 : i32
      %sign3A_1082 = arith.extui %sign3A_1081 : i1 to i32
      %sign3A_1083 = arith.subi %sign3A_1079, %sign3A_1082 : i32
      %sign3A_1084 = arith.constant 0 : i32
      %sign3A_1085 = arith.cmpi sgt, %jit3A_1075, %sign3A_1084 : i32
      %sign3A_1086 = arith.extui %sign3A_1085 : i1 to i32
      %sign3A_1087 = arith.constant 0 : i32
      %sign3A_1088 = arith.cmpi slt, %jit3A_1075, %sign3A_1087 : i32
      %sign3A_1089 = arith.extui %sign3A_1088 : i1 to i32
      %sign3A_1090 = arith.subi %sign3A_1086, %sign3A_1089 : i32
      %ne3A_1091 = arith.cmpi ne, %sign3A_1083, %sign3A_1090 : i32
      %rem3A_1092 = arith.remsi %add3A_1058, %jit3A_1075 : i32
      %ne3A_1093 = arith.constant 0 : i32
      %ne3A_1094 = arith.cmpi ne, %rem3A_1092, %ne3A_1093 : i32
      %and3A_1095 = arith.andi %ne3A_1091, %ne3A_1094 : i1
      %sub3A_1096 = arith.constant 1 : i32
      %sub3A_1097 = arith.subi %div3A_1076, %sub3A_1096 : i32
      %select_n3A_1098 = arith.select %and3A_1095, %sub3A_1097, %div3A_1076 : i32
      %mul3A_1099 = arith.constant 128 : i32
      %mul3A_1100 = arith.muli %select_n3A_1098, %mul3A_1099 : i32
      %dma_start3A_1101 = arith.constant 5 : i32
      %dma_start3A_1102 = arith.constant 0 : i32
      %dma_start3A_1103 = arith.constant 0 : i32
      %dma_start3A_1104 = tpu.memref_slice %arg8[%dma_start3A_1101, %dma_start3A_1102, %dma_start3A_1103] : memref<8x128x32xf32, #tpu.memory_space<vmem>> -> memref<1x128x32xf32, #tpu.memory_space<vmem>>
      %dma_start3A_1105 = tpu.memref_squeeze %dma_start3A_1104 : memref<1x128x32xf32, #tpu.memory_space<vmem>> -> memref<128x32xf32, #tpu.memory_space<vmem>>
      %dma_start3A_1106 = tpu.memref_slice %arg7[%mul3A_1100] : memref<10240xi32, #tpu.memory_space<vmem>> -> memref<128xi32, #tpu.memory_space<vmem>>
      %dma_start3A_1107 = arith.constant 0 : i32
      %dma_start3A_1108 = arith.constant 0 : i32
      %dma_start3A_1109 = tpu.memref_slice %arg3[%dma_start3A_1107, %dma_start3A_1108] : memref<2000000x32xf32, #tpu.memory_space<hbm>> -> memref<2000000x32xf32, #tpu.memory_space<hbm>>
      tpu.enqueue_indirect_dma source(%dma_start3A_1109 : memref<2000000x32xf32, #tpu.memory_space<hbm>>) target(%dma_start3A_1105 : memref<128x32xf32, #tpu.memory_space<vmem>>) offsets(%dma_start3A_1106 : memref<128xi32, #tpu.memory_space<vmem>>) semaphore(%arg9 : memref<!tpu.dma_semaphore, #tpu.memory_space<semaphore_mem>>)
      %dma_wait3A_1110 = arith.constant 1 : i32
      %dma_wait3A_1111 = arith.constant 0 : i32
      %dma_wait3A_1112 = arith.constant 0 : i32
      %dma_wait3A_1113 = tpu.memref_slice %arg8[%dma_wait3A_1110, %dma_wait3A_1111, %dma_wait3A_1112] : memref<8x128x32xf32, #tpu.memory_space<vmem>> -> memref<1x128x32xf32, #tpu.memory_space<vmem>>
      %dma_wait3A_1114 = tpu.memref_squeeze %dma_wait3A_1113 : memref<1x128x32xf32, #tpu.memory_space<vmem>> -> memref<128x32xf32, #tpu.memory_space<vmem>>
      %dma_wait3A_1115 = arith.constant 0 : i32
      %dma_wait3A_1116 = arith.constant 0 : i32
      %dma_wait3A_1117 = tpu.memref_slice %arg3[%dma_wait3A_1115, %dma_wait3A_1116] : memref<2000000x32xf32, #tpu.memory_space<hbm>> -> memref<128x32xf32, #tpu.memory_space<hbm>>
      %dma_wait3A_1118 = arith.constant 0 : i32
      %dma_wait3A_1119 = arith.constant 0 : i32
      %dma_wait3A_1120 = tpu.memref_slice %arg8[%dma_wait3A_1110, %dma_wait3A_1118, %dma_wait3A_1119] : memref<8x128x32xf32, #tpu.memory_space<vmem>> -> memref<1x128x32xf32, #tpu.memory_space<vmem>>
      %dma_wait3A_1121 = tpu.memref_squeeze %dma_wait3A_1120 : memref<1x128x32xf32, #tpu.memory_space<vmem>> -> memref<128x32xf32, #tpu.memory_space<vmem>>
      %dma_wait3A_1122 = arith.constant 0 : i32
      %dma_wait3A_1123 = arith.constant 0 : i32
      %dma_wait3A_1124 = tpu.memref_slice %arg3[%dma_wait3A_1122, %dma_wait3A_1123] : memref<2000000x32xf32, #tpu.memory_space<hbm>> -> memref<128x32xf32, #tpu.memory_space<hbm>>
      tpu.wait_dma2 semaphore(%arg9 : memref<!tpu.dma_semaphore, #tpu.memory_space<semaphore_mem>>) src(%dma_wait3A_1124 : memref<128x32xf32, #tpu.memory_space<hbm>>) dst(%dma_wait3A_1121 : memref<128x32xf32, #tpu.memory_space<vmem>>)
      %sub3A_1125 = arith.constant 4 : i32
      %sub3A_1126 = arith.subi %add3A_1058, %sub3A_1125 : i32
      %jit3A_1127 = arith.constant 2 : i32
      %div3A_1128 = arith.divsi %sub3A_1126, %jit3A_1127 : i32
      %sign3A_1129 = arith.constant 0 : i32
      %sign3A_1130 = arith.cmpi sgt, %sub3A_1126, %sign3A_1129 : i32
      %sign3A_1131 = arith.extui %sign3A_1130 : i1 to i32
      %sign3A_1132 = arith.constant 0 : i32
      %sign3A_1133 = arith.cmpi slt, %sub3A_1126, %sign3A_1132 : i32
      %sign3A_1134 = arith.extui %sign3A_1133 : i1 to i32
      %sign3A_1135 = arith.subi %sign3A_1131, %sign3A_1134 : i32
      %sign3A_1136 = arith.constant 0 : i32
      %sign3A_1137 = arith.cmpi sgt, %jit3A_1127, %sign3A_1136 : i32
      %sign3A_1138 = arith.extui %sign3A_1137 : i1 to i32
      %sign3A_1139 = arith.constant 0 : i32
      %sign3A_1140 = arith.cmpi slt, %jit3A_1127, %sign3A_1139 : i32
      %sign3A_1141 = arith.extui %sign3A_1140 : i1 to i32
      %sign3A_1142 = arith.subi %sign3A_1138, %sign3A_1141 : i32
      %ne3A_1143 = arith.cmpi ne, %sign3A_1135, %sign3A_1142 : i32
      %rem3A_1144 = arith.remsi %sub3A_1126, %jit3A_1127 : i32
      %ne3A_1145 = arith.constant 0 : i32
      %ne3A_1146 = arith.cmpi ne, %rem3A_1144, %ne3A_1145 : i32
      %and3A_1147 = arith.andi %ne3A_1143, %ne3A_1146 : i1
      %sub3A_1148 = arith.constant 1 : i32
      %sub3A_1149 = arith.subi %div3A_1128, %sub3A_1148 : i32
      %select_n3A_1150 = arith.select %and3A_1147, %sub3A_1149, %div3A_1128 : i32
      %mul3A_1151 = arith.constant 128 : i32
      %mul3A_1152 = arith.muli %select_n3A_1150, %mul3A_1151 : i32
      %add3A_1153 = arith.addi %mul3A_2, %mul3A_1152 : i32
      %dma_start3A_1154 = arith.constant 1 : i32
      %dma_start3A_1155 = arith.constant 1 : i32
      %dma_start3A_1156 = arith.constant 0 : i32
      %dma_start3A_1157 = arith.constant 0 : i32
      %dma_start3A_1158 = tpu.memref_slice %arg8[%dma_start3A_1154, %dma_start3A_1156, %dma_start3A_1157] : memref<8x128x32xf32, #tpu.memory_space<vmem>> -> memref<1x128x32xf32, #tpu.memory_space<vmem>>
      %dma_start3A_1159 = tpu.memref_squeeze %dma_start3A_1158 : memref<1x128x32xf32, #tpu.memory_space<vmem>> -> memref<128x32xf32, #tpu.memory_space<vmem>>
      %dma_start3A_1160 = arith.constant 0 : i32
      %dma_start3A_1161 = tpu.memref_slice %arg4[%add3A_1153, %dma_start3A_1155, %dma_start3A_1160] : memref<327680x2x32xf32, #tpu.memory_space<hbm>> -> memref<128x1x32xf32, #tpu.memory_space<hbm>>
      %dma_start3A_1162 = tpu.memref_squeeze %dma_start3A_1161 : memref<128x1x32xf32, #tpu.memory_space<hbm>> -> memref<128x32xf32, #tpu.memory_space<hbm>>
      %dma_start3A_1163 = arith.constant 0 : i32
      %dma_start3A_1164 = tpu.memref_slice %arg4[%add3A_1153, %dma_start3A_1155, %dma_start3A_1163] : memref<327680x2x32xf32, #tpu.memory_space<hbm>> -> memref<128x1x32xf32, #tpu.memory_space<hbm>>
      %dma_start3A_1165 = tpu.memref_squeeze %dma_start3A_1164 : memref<128x1x32xf32, #tpu.memory_space<hbm>> -> memref<128x32xf32, #tpu.memory_space<hbm>>
      %dma_start3A_1166 = arith.constant 0 : i32
      %dma_start3A_1167 = arith.constant 0 : i32
      %dma_start3A_1168 = tpu.memref_slice %arg8[%dma_start3A_1154, %dma_start3A_1166, %dma_start3A_1167] : memref<8x128x32xf32, #tpu.memory_space<vmem>> -> memref<1x128x32xf32, #tpu.memory_space<vmem>>
      %dma_start3A_1169 = tpu.memref_squeeze %dma_start3A_1168 : memref<1x128x32xf32, #tpu.memory_space<vmem>> -> memref<128x32xf32, #tpu.memory_space<vmem>>
      tpu.enqueue_dma source(%dma_start3A_1169 : memref<128x32xf32, #tpu.memory_space<vmem>>) target(%dma_start3A_1165 : memref<128x32xf32, #tpu.memory_space<hbm>>) target_semaphore(%arg10 : memref<!tpu.dma_semaphore, #tpu.memory_space<semaphore_mem>>)
      %mul3A_1170 = arith.constant 8 : i32
      %mul3A_1171 = arith.muli %scan3A_486, %mul3A_1170 : i32
      %add3A_1172 = arith.constant 6 : i32
      %add3A_1173 = arith.addi %mul3A_1171, %add3A_1172 : i32
      %dma_wait3A_1174 = arith.constant 6 : i32
      %dma_wait3A_1175 = arith.constant 0 : i32
      %dma_wait3A_1176 = arith.constant 0 : i32
      %dma_wait3A_1177 = arith.constant 0 : i32
      %dma_wait3A_1178 = tpu.memref_slice %arg8[%dma_wait3A_1174, %dma_wait3A_1176, %dma_wait3A_1177] : memref<8x128x32xf32, #tpu.memory_space<vmem>> -> memref<1x128x32xf32, #tpu.memory_space<vmem>>
      %dma_wait3A_1179 = tpu.memref_squeeze %dma_wait3A_1178 : memref<1x128x32xf32, #tpu.memory_space<vmem>> -> memref<128x32xf32, #tpu.memory_space<vmem>>
      %dma_wait3A_1180 = arith.constant 0 : i32
      %dma_wait3A_1181 = tpu.memref_slice %arg4[%mul3A_2, %dma_wait3A_1175, %dma_wait3A_1180] : memref<327680x2x32xf32, #tpu.memory_space<hbm>> -> memref<128x1x32xf32, #tpu.memory_space<hbm>>
      %dma_wait3A_1182 = tpu.memref_squeeze %dma_wait3A_1181 : memref<128x1x32xf32, #tpu.memory_space<hbm>> -> memref<128x32xf32, #tpu.memory_space<hbm>>
      %dma_wait3A_1183 = arith.constant 0 : i32
      %dma_wait3A_1184 = tpu.memref_slice %arg4[%mul3A_2, %dma_wait3A_1175, %dma_wait3A_1183] : memref<327680x2x32xf32, #tpu.memory_space<hbm>> -> memref<128x1x32xf32, #tpu.memory_space<hbm>>
      %dma_wait3A_1185 = tpu.memref_squeeze %dma_wait3A_1184 : memref<128x1x32xf32, #tpu.memory_space<hbm>> -> memref<128x32xf32, #tpu.memory_space<hbm>>
      %dma_wait3A_1186 = arith.constant 0 : i32
      %dma_wait3A_1187 = arith.constant 0 : i32
      %dma_wait3A_1188 = tpu.memref_slice %arg8[%dma_wait3A_1174, %dma_wait3A_1186, %dma_wait3A_1187] : memref<8x128x32xf32, #tpu.memory_space<vmem>> -> memref<1x128x32xf32, #tpu.memory_space<vmem>>
      %dma_wait3A_1189 = tpu.memref_squeeze %dma_wait3A_1188 : memref<1x128x32xf32, #tpu.memory_space<vmem>> -> memref<128x32xf32, #tpu.memory_space<vmem>>
      tpu.wait_dma2 semaphore(%arg10 : memref<!tpu.dma_semaphore, #tpu.memory_space<semaphore_mem>>) src(%dma_wait3A_1189 : memref<128x32xf32, #tpu.memory_space<vmem>>) dst(%dma_wait3A_1185 : memref<128x32xf32, #tpu.memory_space<hbm>>)
      %jit3A_1190 = arith.constant 2 : i32
      %div3A_1191 = arith.divsi %add3A_1173, %jit3A_1190 : i32
      %sign3A_1192 = arith.constant 0 : i32
      %sign3A_1193 = arith.cmpi sgt, %add3A_1173, %sign3A_1192 : i32
      %sign3A_1194 = arith.extui %sign3A_1193 : i1 to i32
      %sign3A_1195 = arith.constant 0 : i32
      %sign3A_1196 = arith.cmpi slt, %add3A_1173, %sign3A_1195 : i32
      %sign3A_1197 = arith.extui %sign3A_1196 : i1 to i32
      %sign3A_1198 = arith.subi %sign3A_1194, %sign3A_1197 : i32
      %sign3A_1199 = arith.constant 0 : i32
      %sign3A_1200 = arith.cmpi sgt, %jit3A_1190, %sign3A_1199 : i32
      %sign3A_1201 = arith.extui %sign3A_1200 : i1 to i32
      %sign3A_1202 = arith.constant 0 : i32
      %sign3A_1203 = arith.cmpi slt, %jit3A_1190, %sign3A_1202 : i32
      %sign3A_1204 = arith.extui %sign3A_1203 : i1 to i32
      %sign3A_1205 = arith.subi %sign3A_1201, %sign3A_1204 : i32
      %ne3A_1206 = arith.cmpi ne, %sign3A_1198, %sign3A_1205 : i32
      %rem3A_1207 = arith.remsi %add3A_1173, %jit3A_1190 : i32
      %ne3A_1208 = arith.constant 0 : i32
      %ne3A_1209 = arith.cmpi ne, %rem3A_1207, %ne3A_1208 : i32
      %and3A_1210 = arith.andi %ne3A_1206, %ne3A_1209 : i1
      %sub3A_1211 = arith.constant 1 : i32
      %sub3A_1212 = arith.subi %div3A_1191, %sub3A_1211 : i32
      %select_n3A_1213 = arith.select %and3A_1210, %sub3A_1212, %div3A_1191 : i32
      %mul3A_1214 = arith.constant 128 : i32
      %mul3A_1215 = arith.muli %select_n3A_1213, %mul3A_1214 : i32
      %dma_start3A_1216 = arith.constant 6 : i32
      %dma_start3A_1217 = arith.constant 0 : i32
      %dma_start3A_1218 = arith.constant 0 : i32
      %dma_start3A_1219 = tpu.memref_slice %arg8[%dma_start3A_1216, %dma_start3A_1217, %dma_start3A_1218] : memref<8x128x32xf32, #tpu.memory_space<vmem>> -> memref<1x128x32xf32, #tpu.memory_space<vmem>>
      %dma_start3A_1220 = tpu.memref_squeeze %dma_start3A_1219 : memref<1x128x32xf32, #tpu.memory_space<vmem>> -> memref<128x32xf32, #tpu.memory_space<vmem>>
      %dma_start3A_1221 = tpu.memref_slice %arg6[%mul3A_1215] : memref<10240xi32, #tpu.memory_space<vmem>> -> memref<128xi32, #tpu.memory_space<vmem>>
      %dma_start3A_1222 = arith.constant 0 : i32
      %dma_start3A_1223 = arith.constant 0 : i32
      %dma_start3A_1224 = tpu.memref_slice %arg3[%dma_start3A_1222, %dma_start3A_1223] : memref<2000000x32xf32, #tpu.memory_space<hbm>> -> memref<2000000x32xf32, #tpu.memory_space<hbm>>
      tpu.enqueue_indirect_dma source(%dma_start3A_1224 : memref<2000000x32xf32, #tpu.memory_space<hbm>>) target(%dma_start3A_1220 : memref<128x32xf32, #tpu.memory_space<vmem>>) offsets(%dma_start3A_1221 : memref<128xi32, #tpu.memory_space<vmem>>) semaphore(%arg9 : memref<!tpu.dma_semaphore, #tpu.memory_space<semaphore_mem>>)
      %dma_wait3A_1225 = arith.constant 2 : i32
      %dma_wait3A_1226 = arith.constant 0 : i32
      %dma_wait3A_1227 = arith.constant 0 : i32
      %dma_wait3A_1228 = tpu.memref_slice %arg8[%dma_wait3A_1225, %dma_wait3A_1226, %dma_wait3A_1227] : memref<8x128x32xf32, #tpu.memory_space<vmem>> -> memref<1x128x32xf32, #tpu.memory_space<vmem>>
      %dma_wait3A_1229 = tpu.memref_squeeze %dma_wait3A_1228 : memref<1x128x32xf32, #tpu.memory_space<vmem>> -> memref<128x32xf32, #tpu.memory_space<vmem>>
      %dma_wait3A_1230 = arith.constant 0 : i32
      %dma_wait3A_1231 = arith.constant 0 : i32
      %dma_wait3A_1232 = tpu.memref_slice %arg3[%dma_wait3A_1230, %dma_wait3A_1231] : memref<2000000x32xf32, #tpu.memory_space<hbm>> -> memref<128x32xf32, #tpu.memory_space<hbm>>
      %dma_wait3A_1233 = arith.constant 0 : i32
      %dma_wait3A_1234 = arith.constant 0 : i32
      %dma_wait3A_1235 = tpu.memref_slice %arg8[%dma_wait3A_1225, %dma_wait3A_1233, %dma_wait3A_1234] : memref<8x128x32xf32, #tpu.memory_space<vmem>> -> memref<1x128x32xf32, #tpu.memory_space<vmem>>
      %dma_wait3A_1236 = tpu.memref_squeeze %dma_wait3A_1235 : memref<1x128x32xf32, #tpu.memory_space<vmem>> -> memref<128x32xf32, #tpu.memory_space<vmem>>
      %dma_wait3A_1237 = arith.constant 0 : i32
      %dma_wait3A_1238 = arith.constant 0 : i32
      %dma_wait3A_1239 = tpu.memref_slice %arg3[%dma_wait3A_1237, %dma_wait3A_1238] : memref<2000000x32xf32, #tpu.memory_space<hbm>> -> memref<128x32xf32, #tpu.memory_space<hbm>>
      tpu.wait_dma2 semaphore(%arg9 : memref<!tpu.dma_semaphore, #tpu.memory_space<semaphore_mem>>) src(%dma_wait3A_1239 : memref<128x32xf32, #tpu.memory_space<hbm>>) dst(%dma_wait3A_1236 : memref<128x32xf32, #tpu.memory_space<vmem>>)
      %sub3A_1240 = arith.constant 4 : i32
      %sub3A_1241 = arith.subi %add3A_1173, %sub3A_1240 : i32
      %jit3A_1242 = arith.constant 2 : i32
      %div3A_1243 = arith.divsi %sub3A_1241, %jit3A_1242 : i32
      %sign3A_1244 = arith.constant 0 : i32
      %sign3A_1245 = arith.cmpi sgt, %sub3A_1241, %sign3A_1244 : i32
      %sign3A_1246 = arith.extui %sign3A_1245 : i1 to i32
      %sign3A_1247 = arith.constant 0 : i32
      %sign3A_1248 = arith.cmpi slt, %sub3A_1241, %sign3A_1247 : i32
      %sign3A_1249 = arith.extui %sign3A_1248 : i1 to i32
      %sign3A_1250 = arith.subi %sign3A_1246, %sign3A_1249 : i32
      %sign3A_1251 = arith.constant 0 : i32
      %sign3A_1252 = arith.cmpi sgt, %jit3A_1242, %sign3A_1251 : i32
      %sign3A_1253 = arith.extui %sign3A_1252 : i1 to i32
      %sign3A_1254 = arith.constant 0 : i32
      %sign3A_1255 = arith.cmpi slt, %jit3A_1242, %sign3A_1254 : i32
      %sign3A_1256 = arith.extui %sign3A_1255 : i1 to i32
      %sign3A_1257 = arith.subi %sign3A_1253, %sign3A_1256 : i32
      %ne3A_1258 = arith.cmpi ne, %sign3A_1250, %sign3A_1257 : i32
      %rem3A_1259 = arith.remsi %sub3A_1241, %jit3A_1242 : i32
      %ne3A_1260 = arith.constant 0 : i32
      %ne3A_1261 = arith.cmpi ne, %rem3A_1259, %ne3A_1260 : i32
      %and3A_1262 = arith.andi %ne3A_1258, %ne3A_1261 : i1
      %sub3A_1263 = arith.constant 1 : i32
      %sub3A_1264 = arith.subi %div3A_1243, %sub3A_1263 : i32
      %select_n3A_1265 = arith.select %and3A_1262, %sub3A_1264, %div3A_1243 : i32
      %mul3A_1266 = arith.constant 128 : i32
      %mul3A_1267 = arith.muli %select_n3A_1265, %mul3A_1266 : i32
      %add3A_1268 = arith.addi %mul3A_2, %mul3A_1267 : i32
      %dma_start3A_1269 = arith.constant 2 : i32
      %dma_start3A_1270 = arith.constant 0 : i32
      %dma_start3A_1271 = arith.constant 0 : i32
      %dma_start3A_1272 = arith.constant 0 : i32
      %dma_start3A_1273 = tpu.memref_slice %arg8[%dma_start3A_1269, %dma_start3A_1271, %dma_start3A_1272] : memref<8x128x32xf32, #tpu.memory_space<vmem>> -> memref<1x128x32xf32, #tpu.memory_space<vmem>>
      %dma_start3A_1274 = tpu.memref_squeeze %dma_start3A_1273 : memref<1x128x32xf32, #tpu.memory_space<vmem>> -> memref<128x32xf32, #tpu.memory_space<vmem>>
      %dma_start3A_1275 = arith.constant 0 : i32
      %dma_start3A_1276 = tpu.memref_slice %arg4[%add3A_1268, %dma_start3A_1270, %dma_start3A_1275] : memref<327680x2x32xf32, #tpu.memory_space<hbm>> -> memref<128x1x32xf32, #tpu.memory_space<hbm>>
      %dma_start3A_1277 = tpu.memref_squeeze %dma_start3A_1276 : memref<128x1x32xf32, #tpu.memory_space<hbm>> -> memref<128x32xf32, #tpu.memory_space<hbm>>
      %dma_start3A_1278 = arith.constant 0 : i32
      %dma_start3A_1279 = tpu.memref_slice %arg4[%add3A_1268, %dma_start3A_1270, %dma_start3A_1278] : memref<327680x2x32xf32, #tpu.memory_space<hbm>> -> memref<128x1x32xf32, #tpu.memory_space<hbm>>
      %dma_start3A_1280 = tpu.memref_squeeze %dma_start3A_1279 : memref<128x1x32xf32, #tpu.memory_space<hbm>> -> memref<128x32xf32, #tpu.memory_space<hbm>>
      %dma_start3A_1281 = arith.constant 0 : i32
      %dma_start3A_1282 = arith.constant 0 : i32
      %dma_start3A_1283 = tpu.memref_slice %arg8[%dma_start3A_1269, %dma_start3A_1281, %dma_start3A_1282] : memref<8x128x32xf32, #tpu.memory_space<vmem>> -> memref<1x128x32xf32, #tpu.memory_space<vmem>>
      %dma_start3A_1284 = tpu.memref_squeeze %dma_start3A_1283 : memref<1x128x32xf32, #tpu.memory_space<vmem>> -> memref<128x32xf32, #tpu.memory_space<vmem>>
      tpu.enqueue_dma source(%dma_start3A_1284 : memref<128x32xf32, #tpu.memory_space<vmem>>) target(%dma_start3A_1280 : memref<128x32xf32, #tpu.memory_space<hbm>>) target_semaphore(%arg10 : memref<!tpu.dma_semaphore, #tpu.memory_space<semaphore_mem>>)
      %mul3A_1285 = arith.constant 8 : i32
      %mul3A_1286 = arith.muli %scan3A_486, %mul3A_1285 : i32
      %add3A_1287 = arith.constant 7 : i32
      %add3A_1288 = arith.addi %mul3A_1286, %add3A_1287 : i32
      %dma_wait3A_1289 = arith.constant 7 : i32
      %dma_wait3A_1290 = arith.constant 0 : i32
      %dma_wait3A_1291 = arith.constant 0 : i32
      %dma_wait3A_1292 = arith.constant 0 : i32
      %dma_wait3A_1293 = tpu.memref_slice %arg8[%dma_wait3A_1289, %dma_wait3A_1291, %dma_wait3A_1292] : memref<8x128x32xf32, #tpu.memory_space<vmem>> -> memref<1x128x32xf32, #tpu.memory_space<vmem>>
      %dma_wait3A_1294 = tpu.memref_squeeze %dma_wait3A_1293 : memref<1x128x32xf32, #tpu.memory_space<vmem>> -> memref<128x32xf32, #tpu.memory_space<vmem>>
      %dma_wait3A_1295 = arith.constant 0 : i32
      %dma_wait3A_1296 = tpu.memref_slice %arg4[%mul3A_2, %dma_wait3A_1290, %dma_wait3A_1295] : memref<327680x2x32xf32, #tpu.memory_space<hbm>> -> memref<128x1x32xf32, #tpu.memory_space<hbm>>
      %dma_wait3A_1297 = tpu.memref_squeeze %dma_wait3A_1296 : memref<128x1x32xf32, #tpu.memory_space<hbm>> -> memref<128x32xf32, #tpu.memory_space<hbm>>
      %dma_wait3A_1298 = arith.constant 0 : i32
      %dma_wait3A_1299 = tpu.memref_slice %arg4[%mul3A_2, %dma_wait3A_1290, %dma_wait3A_1298] : memref<327680x2x32xf32, #tpu.memory_space<hbm>> -> memref<128x1x32xf32, #tpu.memory_space<hbm>>
      %dma_wait3A_1300 = tpu.memref_squeeze %dma_wait3A_1299 : memref<128x1x32xf32, #tpu.memory_space<hbm>> -> memref<128x32xf32, #tpu.memory_space<hbm>>
      %dma_wait3A_1301 = arith.constant 0 : i32
      %dma_wait3A_1302 = arith.constant 0 : i32
      %dma_wait3A_1303 = tpu.memref_slice %arg8[%dma_wait3A_1289, %dma_wait3A_1301, %dma_wait3A_1302] : memref<8x128x32xf32, #tpu.memory_space<vmem>> -> memref<1x128x32xf32, #tpu.memory_space<vmem>>
      %dma_wait3A_1304 = tpu.memref_squeeze %dma_wait3A_1303 : memref<1x128x32xf32, #tpu.memory_space<vmem>> -> memref<128x32xf32, #tpu.memory_space<vmem>>
      tpu.wait_dma2 semaphore(%arg10 : memref<!tpu.dma_semaphore, #tpu.memory_space<semaphore_mem>>) src(%dma_wait3A_1304 : memref<128x32xf32, #tpu.memory_space<vmem>>) dst(%dma_wait3A_1300 : memref<128x32xf32, #tpu.memory_space<hbm>>)
      %jit3A_1305 = arith.constant 2 : i32
      %div3A_1306 = arith.divsi %add3A_1288, %jit3A_1305 : i32
      %sign3A_1307 = arith.constant 0 : i32
      %sign3A_1308 = arith.cmpi sgt, %add3A_1288, %sign3A_1307 : i32
      %sign3A_1309 = arith.extui %sign3A_1308 : i1 to i32
      %sign3A_1310 = arith.constant 0 : i32
      %sign3A_1311 = arith.cmpi slt, %add3A_1288, %sign3A_1310 : i32
      %sign3A_1312 = arith.extui %sign3A_1311 : i1 to i32
      %sign3A_1313 = arith.subi %sign3A_1309, %sign3A_1312 : i32
      %sign3A_1314 = arith.constant 0 : i32
      %sign3A_1315 = arith.cmpi sgt, %jit3A_1305, %sign3A_1314 : i32
      %sign3A_1316 = arith.extui %sign3A_1315 : i1 to i32
      %sign3A_1317 = arith.constant 0 : i32
      %sign3A_1318 = arith.cmpi slt, %jit3A_1305, %sign3A_1317 : i32
      %sign3A_1319 = arith.extui %sign3A_1318 : i1 to i32
      %sign3A_1320 = arith.subi %sign3A_1316, %sign3A_1319 : i32
      %ne3A_1321 = arith.cmpi ne, %sign3A_1313, %sign3A_1320 : i32
      %rem3A_1322 = arith.remsi %add3A_1288, %jit3A_1305 : i32
      %ne3A_1323 = arith.constant 0 : i32
      %ne3A_1324 = arith.cmpi ne, %rem3A_1322, %ne3A_1323 : i32
      %and3A_1325 = arith.andi %ne3A_1321, %ne3A_1324 : i1
      %sub3A_1326 = arith.constant 1 : i32
      %sub3A_1327 = arith.subi %div3A_1306, %sub3A_1326 : i32
      %select_n3A_1328 = arith.select %and3A_1325, %sub3A_1327, %div3A_1306 : i32
      %mul3A_1329 = arith.constant 128 : i32
      %mul3A_1330 = arith.muli %select_n3A_1328, %mul3A_1329 : i32
      %dma_start3A_1331 = arith.constant 7 : i32
      %dma_start3A_1332 = arith.constant 0 : i32
      %dma_start3A_1333 = arith.constant 0 : i32
      %dma_start3A_1334 = tpu.memref_slice %arg8[%dma_start3A_1331, %dma_start3A_1332, %dma_start3A_1333] : memref<8x128x32xf32, #tpu.memory_space<vmem>> -> memref<1x128x32xf32, #tpu.memory_space<vmem>>
      %dma_start3A_1335 = tpu.memref_squeeze %dma_start3A_1334 : memref<1x128x32xf32, #tpu.memory_space<vmem>> -> memref<128x32xf32, #tpu.memory_space<vmem>>
      %dma_start3A_1336 = tpu.memref_slice %arg7[%mul3A_1330] : memref<10240xi32, #tpu.memory_space<vmem>> -> memref<128xi32, #tpu.memory_space<vmem>>
      %dma_start3A_1337 = arith.constant 0 : i32
      %dma_start3A_1338 = arith.constant 0 : i32
      %dma_start3A_1339 = tpu.memref_slice %arg3[%dma_start3A_1337, %dma_start3A_1338] : memref<2000000x32xf32, #tpu.memory_space<hbm>> -> memref<2000000x32xf32, #tpu.memory_space<hbm>>
      tpu.enqueue_indirect_dma source(%dma_start3A_1339 : memref<2000000x32xf32, #tpu.memory_space<hbm>>) target(%dma_start3A_1335 : memref<128x32xf32, #tpu.memory_space<vmem>>) offsets(%dma_start3A_1336 : memref<128xi32, #tpu.memory_space<vmem>>) semaphore(%arg9 : memref<!tpu.dma_semaphore, #tpu.memory_space<semaphore_mem>>)
      %dma_wait3A_1340 = arith.constant 3 : i32
      %dma_wait3A_1341 = arith.constant 0 : i32
      %dma_wait3A_1342 = arith.constant 0 : i32
      %dma_wait3A_1343 = tpu.memref_slice %arg8[%dma_wait3A_1340, %dma_wait3A_1341, %dma_wait3A_1342] : memref<8x128x32xf32, #tpu.memory_space<vmem>> -> memref<1x128x32xf32, #tpu.memory_space<vmem>>
      %dma_wait3A_1344 = tpu.memref_squeeze %dma_wait3A_1343 : memref<1x128x32xf32, #tpu.memory_space<vmem>> -> memref<128x32xf32, #tpu.memory_space<vmem>>
      %dma_wait3A_1345 = arith.constant 0 : i32
      %dma_wait3A_1346 = arith.constant 0 : i32
      %dma_wait3A_1347 = tpu.memref_slice %arg3[%dma_wait3A_1345, %dma_wait3A_1346] : memref<2000000x32xf32, #tpu.memory_space<hbm>> -> memref<128x32xf32, #tpu.memory_space<hbm>>
      %dma_wait3A_1348 = arith.constant 0 : i32
      %dma_wait3A_1349 = arith.constant 0 : i32
      %dma_wait3A_1350 = tpu.memref_slice %arg8[%dma_wait3A_1340, %dma_wait3A_1348, %dma_wait3A_1349] : memref<8x128x32xf32, #tpu.memory_space<vmem>> -> memref<1x128x32xf32, #tpu.memory_space<vmem>>
      %dma_wait3A_1351 = tpu.memref_squeeze %dma_wait3A_1350 : memref<1x128x32xf32, #tpu.memory_space<vmem>> -> memref<128x32xf32, #tpu.memory_space<vmem>>
      %dma_wait3A_1352 = arith.constant 0 : i32
      %dma_wait3A_1353 = arith.constant 0 : i32
      %dma_wait3A_1354 = tpu.memref_slice %arg3[%dma_wait3A_1352, %dma_wait3A_1353] : memref<2000000x32xf32, #tpu.memory_space<hbm>> -> memref<128x32xf32, #tpu.memory_space<hbm>>
      tpu.wait_dma2 semaphore(%arg9 : memref<!tpu.dma_semaphore, #tpu.memory_space<semaphore_mem>>) src(%dma_wait3A_1354 : memref<128x32xf32, #tpu.memory_space<hbm>>) dst(%dma_wait3A_1351 : memref<128x32xf32, #tpu.memory_space<vmem>>)
      %sub3A_1355 = arith.constant 4 : i32
      %sub3A_1356 = arith.subi %add3A_1288, %sub3A_1355 : i32
      %jit3A_1357 = arith.constant 2 : i32
      %div3A_1358 = arith.divsi %sub3A_1356, %jit3A_1357 : i32
      %sign3A_1359 = arith.constant 0 : i32
      %sign3A_1360 = arith.cmpi sgt, %sub3A_1356, %sign3A_1359 : i32
      %sign3A_1361 = arith.extui %sign3A_1360 : i1 to i32
      %sign3A_1362 = arith.constant 0 : i32
      %sign3A_1363 = arith.cmpi slt, %sub3A_1356, %sign3A_1362 : i32
      %sign3A_1364 = arith.extui %sign3A_1363 : i1 to i32
      %sign3A_1365 = arith.subi %sign3A_1361, %sign3A_1364 : i32
      %sign3A_1366 = arith.constant 0 : i32
      %sign3A_1367 = arith.cmpi sgt, %jit3A_1357, %sign3A_1366 : i32
      %sign3A_1368 = arith.extui %sign3A_1367 : i1 to i32
      %sign3A_1369 = arith.constant 0 : i32
      %sign3A_1370 = arith.cmpi slt, %jit3A_1357, %sign3A_1369 : i32
      %sign3A_1371 = arith.extui %sign3A_1370 : i1 to i32
      %sign3A_1372 = arith.subi %sign3A_1368, %sign3A_1371 : i32
      %ne3A_1373 = arith.cmpi ne, %sign3A_1365, %sign3A_1372 : i32
      %rem3A_1374 = arith.remsi %sub3A_1356, %jit3A_1357 : i32
      %ne3A_1375 = arith.constant 0 : i32
      %ne3A_1376 = arith.cmpi ne, %rem3A_1374, %ne3A_1375 : i32
      %and3A_1377 = arith.andi %ne3A_1373, %ne3A_1376 : i1
      %sub3A_1378 = arith.constant 1 : i32
      %sub3A_1379 = arith.subi %div3A_1358, %sub3A_1378 : i32
      %select_n3A_1380 = arith.select %and3A_1377, %sub3A_1379, %div3A_1358 : i32
      %mul3A_1381 = arith.constant 128 : i32
      %mul3A_1382 = arith.muli %select_n3A_1380, %mul3A_1381 : i32
      %add3A_1383 = arith.addi %mul3A_2, %mul3A_1382 : i32
      %dma_start3A_1384 = arith.constant 3 : i32
      %dma_start3A_1385 = arith.constant 1 : i32
      %dma_start3A_1386 = arith.constant 0 : i32
      %dma_start3A_1387 = arith.constant 0 : i32
      %dma_start3A_1388 = tpu.memref_slice %arg8[%dma_start3A_1384, %dma_start3A_1386, %dma_start3A_1387] : memref<8x128x32xf32, #tpu.memory_space<vmem>> -> memref<1x128x32xf32, #tpu.memory_space<vmem>>
      %dma_start3A_1389 = tpu.memref_squeeze %dma_start3A_1388 : memref<1x128x32xf32, #tpu.memory_space<vmem>> -> memref<128x32xf32, #tpu.memory_space<vmem>>
      %dma_start3A_1390 = arith.constant 0 : i32
      %dma_start3A_1391 = tpu.memref_slice %arg4[%add3A_1383, %dma_start3A_1385, %dma_start3A_1390] : memref<327680x2x32xf32, #tpu.memory_space<hbm>> -> memref<128x1x32xf32, #tpu.memory_space<hbm>>
      %dma_start3A_1392 = tpu.memref_squeeze %dma_start3A_1391 : memref<128x1x32xf32, #tpu.memory_space<hbm>> -> memref<128x32xf32, #tpu.memory_space<hbm>>
      %dma_start3A_1393 = arith.constant 0 : i32
      %dma_start3A_1394 = tpu.memref_slice %arg4[%add3A_1383, %dma_start3A_1385, %dma_start3A_1393] : memref<327680x2x32xf32, #tpu.memory_space<hbm>> -> memref<128x1x32xf32, #tpu.memory_space<hbm>>
      %dma_start3A_1395 = tpu.memref_squeeze %dma_start3A_1394 : memref<128x1x32xf32, #tpu.memory_space<hbm>> -> memref<128x32xf32, #tpu.memory_space<hbm>>
      %dma_start3A_1396 = arith.constant 0 : i32
      %dma_start3A_1397 = arith.constant 0 : i32
      %dma_start3A_1398 = tpu.memref_slice %arg8[%dma_start3A_1384, %dma_start3A_1396, %dma_start3A_1397] : memref<8x128x32xf32, #tpu.memory_space<vmem>> -> memref<1x128x32xf32, #tpu.memory_space<vmem>>
      %dma_start3A_1399 = tpu.memref_squeeze %dma_start3A_1398 : memref<1x128x32xf32, #tpu.memory_space<vmem>> -> memref<128x32xf32, #tpu.memory_space<vmem>>
      tpu.enqueue_dma source(%dma_start3A_1399 : memref<128x32xf32, #tpu.memory_space<vmem>>) target(%dma_start3A_1395 : memref<128x32xf32, #tpu.memory_space<hbm>>) target_semaphore(%arg10 : memref<!tpu.dma_semaphore, #tpu.memory_space<semaphore_mem>>)
      %scan3A_1400 = arith.constant 0 : i32
      scf.yield %scan3A_1400 : i32
    }
    %scan3A_225 = arith.constant 19 : i32
    %dma_wait3A_226 = arith.constant 4 : i32
    %dma_wait3A_227 = arith.constant 0 : i32
    %dma_wait3A_228 = arith.constant 0 : i32
    %dma_wait3A_229 = tpu.memref_slice %arg8[%dma_wait3A_226, %dma_wait3A_227, %dma_wait3A_228] : memref<8x128x32xf32, #tpu.memory_space<vmem>> -> memref<1x128x32xf32, #tpu.memory_space<vmem>>
    %dma_wait3A_230 = tpu.memref_squeeze %dma_wait3A_229 : memref<1x128x32xf32, #tpu.memory_space<vmem>> -> memref<128x32xf32, #tpu.memory_space<vmem>>
    %dma_wait3A_231 = arith.constant 0 : i32
    %dma_wait3A_232 = arith.constant 0 : i32
    %dma_wait3A_233 = tpu.memref_slice %arg3[%dma_wait3A_231, %dma_wait3A_232] : memref<2000000x32xf32, #tpu.memory_space<hbm>> -> memref<128x32xf32, #tpu.memory_space<hbm>>
    %dma_wait3A_234 = arith.constant 0 : i32
    %dma_wait3A_235 = arith.constant 0 : i32
    %dma_wait3A_236 = tpu.memref_slice %arg8[%dma_wait3A_226, %dma_wait3A_234, %dma_wait3A_235] : memref<8x128x32xf32, #tpu.memory_space<vmem>> -> memref<1x128x32xf32, #tpu.memory_space<vmem>>
    %dma_wait3A_237 = tpu.memref_squeeze %dma_wait3A_236 : memref<1x128x32xf32, #tpu.memory_space<vmem>> -> memref<128x32xf32, #tpu.memory_space<vmem>>
    %dma_wait3A_238 = arith.constant 0 : i32
    %dma_wait3A_239 = arith.constant 0 : i32
    %dma_wait3A_240 = tpu.memref_slice %arg3[%dma_wait3A_238, %dma_wait3A_239] : memref<2000000x32xf32, #tpu.memory_space<hbm>> -> memref<128x32xf32, #tpu.memory_space<hbm>>
    tpu.wait_dma2 semaphore(%arg9 : memref<!tpu.dma_semaphore, #tpu.memory_space<semaphore_mem>>) src(%dma_wait3A_240 : memref<128x32xf32, #tpu.memory_space<hbm>>) dst(%dma_wait3A_237 : memref<128x32xf32, #tpu.memory_space<vmem>>)
    %add3A_241 = arith.constant 9984 : i32
    %add3A_242 = arith.addi %mul3A_2, %add3A_241 : i32
    %dma_start3A_243 = arith.constant 4 : i32
    %dma_start3A_244 = arith.constant 0 : i32
    %dma_start3A_245 = arith.constant 0 : i32
    %dma_start3A_246 = arith.constant 0 : i32
    %dma_start3A_247 = tpu.memref_slice %arg8[%dma_start3A_243, %dma_start3A_245, %dma_start3A_246] : memref<8x128x32xf32, #tpu.memory_space<vmem>> -> memref<1x128x32xf32, #tpu.memory_space<vmem>>
    %dma_start3A_248 = tpu.memref_squeeze %dma_start3A_247 : memref<1x128x32xf32, #tpu.memory_space<vmem>> -> memref<128x32xf32, #tpu.memory_space<vmem>>
    %dma_start3A_249 = arith.constant 0 : i32
    %dma_start3A_250 = tpu.memref_slice %arg4[%add3A_242, %dma_start3A_244, %dma_start3A_249] : memref<327680x2x32xf32, #tpu.memory_space<hbm>> -> memref<128x1x32xf32, #tpu.memory_space<hbm>>
    %dma_start3A_251 = tpu.memref_squeeze %dma_start3A_250 : memref<128x1x32xf32, #tpu.memory_space<hbm>> -> memref<128x32xf32, #tpu.memory_space<hbm>>
    %dma_start3A_252 = arith.constant 0 : i32
    %dma_start3A_253 = tpu.memref_slice %arg4[%add3A_242, %dma_start3A_244, %dma_start3A_252] : memref<327680x2x32xf32, #tpu.memory_space<hbm>> -> memref<128x1x32xf32, #tpu.memory_space<hbm>>
    %dma_start3A_254 = tpu.memref_squeeze %dma_start3A_253 : memref<128x1x32xf32, #tpu.memory_space<hbm>> -> memref<128x32xf32, #tpu.memory_space<hbm>>
    %dma_start3A_255 = arith.constant 0 : i32
    %dma_start3A_256 = arith.constant 0 : i32
    %dma_start3A_257 = tpu.memref_slice %arg8[%dma_start3A_243, %dma_start3A_255, %dma_start3A_256] : memref<8x128x32xf32, #tpu.memory_space<vmem>> -> memref<1x128x32xf32, #tpu.memory_space<vmem>>
    %dma_start3A_258 = tpu.memref_squeeze %dma_start3A_257 : memref<1x128x32xf32, #tpu.memory_space<vmem>> -> memref<128x32xf32, #tpu.memory_space<vmem>>
    tpu.enqueue_dma source(%dma_start3A_258 : memref<128x32xf32, #tpu.memory_space<vmem>>) target(%dma_start3A_254 : memref<128x32xf32, #tpu.memory_space<hbm>>) target_semaphore(%arg10 : memref<!tpu.dma_semaphore, #tpu.memory_space<semaphore_mem>>)
    %dma_wait3A_259 = arith.constant 5 : i32
    %dma_wait3A_260 = arith.constant 0 : i32
    %dma_wait3A_261 = arith.constant 0 : i32
    %dma_wait3A_262 = tpu.memref_slice %arg8[%dma_wait3A_259, %dma_wait3A_260, %dma_wait3A_261] : memref<8x128x32xf32, #tpu.memory_space<vmem>> -> memref<1x128x32xf32, #tpu.memory_space<vmem>>
    %dma_wait3A_263 = tpu.memref_squeeze %dma_wait3A_262 : memref<1x128x32xf32, #tpu.memory_space<vmem>> -> memref<128x32xf32, #tpu.memory_space<vmem>>
    %dma_wait3A_264 = arith.constant 0 : i32
    %dma_wait3A_265 = arith.constant 0 : i32
    %dma_wait3A_266 = tpu.memref_slice %arg3[%dma_wait3A_264, %dma_wait3A_265] : memref<2000000x32xf32, #tpu.memory_space<hbm>> -> memref<128x32xf32, #tpu.memory_space<hbm>>
    %dma_wait3A_267 = arith.constant 0 : i32
    %dma_wait3A_268 = arith.constant 0 : i32
    %dma_wait3A_269 = tpu.memref_slice %arg8[%dma_wait3A_259, %dma_wait3A_267, %dma_wait3A_268] : memref<8x128x32xf32, #tpu.memory_space<vmem>> -> memref<1x128x32xf32, #tpu.memory_space<vmem>>
    %dma_wait3A_270 = tpu.memref_squeeze %dma_wait3A_269 : memref<1x128x32xf32, #tpu.memory_space<vmem>> -> memref<128x32xf32, #tpu.memory_space<vmem>>
    %dma_wait3A_271 = arith.constant 0 : i32
    %dma_wait3A_272 = arith.constant 0 : i32
    %dma_wait3A_273 = tpu.memref_slice %arg3[%dma_wait3A_271, %dma_wait3A_272] : memref<2000000x32xf32, #tpu.memory_space<hbm>> -> memref<128x32xf32, #tpu.memory_space<hbm>>
    tpu.wait_dma2 semaphore(%arg9 : memref<!tpu.dma_semaphore, #tpu.memory_space<semaphore_mem>>) src(%dma_wait3A_273 : memref<128x32xf32, #tpu.memory_space<hbm>>) dst(%dma_wait3A_270 : memref<128x32xf32, #tpu.memory_space<vmem>>)
    %add3A_274 = arith.constant 9984 : i32
    %add3A_275 = arith.addi %mul3A_2, %add3A_274 : i32
    %dma_start3A_276 = arith.constant 5 : i32
    %dma_start3A_277 = arith.constant 1 : i32
    %dma_start3A_278 = arith.constant 0 : i32
    %dma_start3A_279 = arith.constant 0 : i32
    %dma_start3A_280 = tpu.memref_slice %arg8[%dma_start3A_276, %dma_start3A_278, %dma_start3A_279] : memref<8x128x32xf32, #tpu.memory_space<vmem>> -> memref<1x128x32xf32, #tpu.memory_space<vmem>>
    %dma_start3A_281 = tpu.memref_squeeze %dma_start3A_280 : memref<1x128x32xf32, #tpu.memory_space<vmem>> -> memref<128x32xf32, #tpu.memory_space<vmem>>
    %dma_start3A_282 = arith.constant 0 : i32
    %dma_start3A_283 = tpu.memref_slice %arg4[%add3A_275, %dma_start3A_277, %dma_start3A_282] : memref<327680x2x32xf32, #tpu.memory_space<hbm>> -> memref<128x1x32xf32, #tpu.memory_space<hbm>>
    %dma_start3A_284 = tpu.memref_squeeze %dma_start3A_283 : memref<128x1x32xf32, #tpu.memory_space<hbm>> -> memref<128x32xf32, #tpu.memory_space<hbm>>
    %dma_start3A_285 = arith.constant 0 : i32
    %dma_start3A_286 = tpu.memref_slice %arg4[%add3A_275, %dma_start3A_277, %dma_start3A_285] : memref<327680x2x32xf32, #tpu.memory_space<hbm>> -> memref<128x1x32xf32, #tpu.memory_space<hbm>>
    %dma_start3A_287 = tpu.memref_squeeze %dma_start3A_286 : memref<128x1x32xf32, #tpu.memory_space<hbm>> -> memref<128x32xf32, #tpu.memory_space<hbm>>
    %dma_start3A_288 = arith.constant 0 : i32
    %dma_start3A_289 = arith.constant 0 : i32
    %dma_start3A_290 = tpu.memref_slice %arg8[%dma_start3A_276, %dma_start3A_288, %dma_start3A_289] : memref<8x128x32xf32, #tpu.memory_space<vmem>> -> memref<1x128x32xf32, #tpu.memory_space<vmem>>
    %dma_start3A_291 = tpu.memref_squeeze %dma_start3A_290 : memref<1x128x32xf32, #tpu.memory_space<vmem>> -> memref<128x32xf32, #tpu.memory_space<vmem>>
    tpu.enqueue_dma source(%dma_start3A_291 : memref<128x32xf32, #tpu.memory_space<vmem>>) target(%dma_start3A_287 : memref<128x32xf32, #tpu.memory_space<hbm>>) target_semaphore(%arg10 : memref<!tpu.dma_semaphore, #tpu.memory_space<semaphore_mem>>)
    %dma_wait3A_292 = arith.constant 6 : i32
    %dma_wait3A_293 = arith.constant 0 : i32
    %dma_wait3A_294 = arith.constant 0 : i32
    %dma_wait3A_295 = tpu.memref_slice %arg8[%dma_wait3A_292, %dma_wait3A_293, %dma_wait3A_294] : memref<8x128x32xf32, #tpu.memory_space<vmem>> -> memref<1x128x32xf32, #tpu.memory_space<vmem>>
    %dma_wait3A_296 = tpu.memref_squeeze %dma_wait3A_295 : memref<1x128x32xf32, #tpu.memory_space<vmem>> -> memref<128x32xf32, #tpu.memory_space<vmem>>
    %dma_wait3A_297 = arith.constant 0 : i32
    %dma_wait3A_298 = arith.constant 0 : i32
    %dma_wait3A_299 = tpu.memref_slice %arg3[%dma_wait3A_297, %dma_wait3A_298] : memref<2000000x32xf32, #tpu.memory_space<hbm>> -> memref<128x32xf32, #tpu.memory_space<hbm>>
    %dma_wait3A_300 = arith.constant 0 : i32
    %dma_wait3A_301 = arith.constant 0 : i32
    %dma_wait3A_302 = tpu.memref_slice %arg8[%dma_wait3A_292, %dma_wait3A_300, %dma_wait3A_301] : memref<8x128x32xf32, #tpu.memory_space<vmem>> -> memref<1x128x32xf32, #tpu.memory_space<vmem>>
    %dma_wait3A_303 = tpu.memref_squeeze %dma_wait3A_302 : memref<1x128x32xf32, #tpu.memory_space<vmem>> -> memref<128x32xf32, #tpu.memory_space<vmem>>
    %dma_wait3A_304 = arith.constant 0 : i32
    %dma_wait3A_305 = arith.constant 0 : i32
    %dma_wait3A_306 = tpu.memref_slice %arg3[%dma_wait3A_304, %dma_wait3A_305] : memref<2000000x32xf32, #tpu.memory_space<hbm>> -> memref<128x32xf32, #tpu.memory_space<hbm>>
    tpu.wait_dma2 semaphore(%arg9 : memref<!tpu.dma_semaphore, #tpu.memory_space<semaphore_mem>>) src(%dma_wait3A_306 : memref<128x32xf32, #tpu.memory_space<hbm>>) dst(%dma_wait3A_303 : memref<128x32xf32, #tpu.memory_space<vmem>>)
    %add3A_307 = arith.constant 10112 : i32
    %add3A_308 = arith.addi %mul3A_2, %add3A_307 : i32
    %dma_start3A_309 = arith.constant 6 : i32
    %dma_start3A_310 = arith.constant 0 : i32
    %dma_start3A_311 = arith.constant 0 : i32
    %dma_start3A_312 = arith.constant 0 : i32
    %dma_start3A_313 = tpu.memref_slice %arg8[%dma_start3A_309, %dma_start3A_311, %dma_start3A_312] : memref<8x128x32xf32, #tpu.memory_space<vmem>> -> memref<1x128x32xf32, #tpu.memory_space<vmem>>
    %dma_start3A_314 = tpu.memref_squeeze %dma_start3A_313 : memref<1x128x32xf32, #tpu.memory_space<vmem>> -> memref<128x32xf32, #tpu.memory_space<vmem>>
    %dma_start3A_315 = arith.constant 0 : i32
    %dma_start3A_316 = tpu.memref_slice %arg4[%add3A_308, %dma_start3A_310, %dma_start3A_315] : memref<327680x2x32xf32, #tpu.memory_space<hbm>> -> memref<128x1x32xf32, #tpu.memory_space<hbm>>
    %dma_start3A_317 = tpu.memref_squeeze %dma_start3A_316 : memref<128x1x32xf32, #tpu.memory_space<hbm>> -> memref<128x32xf32, #tpu.memory_space<hbm>>
    %dma_start3A_318 = arith.constant 0 : i32
    %dma_start3A_319 = tpu.memref_slice %arg4[%add3A_308, %dma_start3A_310, %dma_start3A_318] : memref<327680x2x32xf32, #tpu.memory_space<hbm>> -> memref<128x1x32xf32, #tpu.memory_space<hbm>>
    %dma_start3A_320 = tpu.memref_squeeze %dma_start3A_319 : memref<128x1x32xf32, #tpu.memory_space<hbm>> -> memref<128x32xf32, #tpu.memory_space<hbm>>
    %dma_start3A_321 = arith.constant 0 : i32
    %dma_start3A_322 = arith.constant 0 : i32
    %dma_start3A_323 = tpu.memref_slice %arg8[%dma_start3A_309, %dma_start3A_321, %dma_start3A_322] : memref<8x128x32xf32, #tpu.memory_space<vmem>> -> memref<1x128x32xf32, #tpu.memory_space<vmem>>
    %dma_start3A_324 = tpu.memref_squeeze %dma_start3A_323 : memref<1x128x32xf32, #tpu.memory_space<vmem>> -> memref<128x32xf32, #tpu.memory_space<vmem>>
    tpu.enqueue_dma source(%dma_start3A_324 : memref<128x32xf32, #tpu.memory_space<vmem>>) target(%dma_start3A_320 : memref<128x32xf32, #tpu.memory_space<hbm>>) target_semaphore(%arg10 : memref<!tpu.dma_semaphore, #tpu.memory_space<semaphore_mem>>)
    %dma_wait3A_325 = arith.constant 7 : i32
    %dma_wait3A_326 = arith.constant 0 : i32
    %dma_wait3A_327 = arith.constant 0 : i32
    %dma_wait3A_328 = tpu.memref_slice %arg8[%dma_wait3A_325, %dma_wait3A_326, %dma_wait3A_327] : memref<8x128x32xf32, #tpu.memory_space<vmem>> -> memref<1x128x32xf32, #tpu.memory_space<vmem>>
    %dma_wait3A_329 = tpu.memref_squeeze %dma_wait3A_328 : memref<1x128x32xf32, #tpu.memory_space<vmem>> -> memref<128x32xf32, #tpu.memory_space<vmem>>
    %dma_wait3A_330 = arith.constant 0 : i32
    %dma_wait3A_331 = arith.constant 0 : i32
    %dma_wait3A_332 = tpu.memref_slice %arg3[%dma_wait3A_330, %dma_wait3A_331] : memref<2000000x32xf32, #tpu.memory_space<hbm>> -> memref<128x32xf32, #tpu.memory_space<hbm>>
    %dma_wait3A_333 = arith.constant 0 : i32
    %dma_wait3A_334 = arith.constant 0 : i32
    %dma_wait3A_335 = tpu.memref_slice %arg8[%dma_wait3A_325, %dma_wait3A_333, %dma_wait3A_334] : memref<8x128x32xf32, #tpu.memory_space<vmem>> -> memref<1x128x32xf32, #tpu.memory_space<vmem>>
    %dma_wait3A_336 = tpu.memref_squeeze %dma_wait3A_335 : memref<1x128x32xf32, #tpu.memory_space<vmem>> -> memref<128x32xf32, #tpu.memory_space<vmem>>
    %dma_wait3A_337 = arith.constant 0 : i32
    %dma_wait3A_338 = arith.constant 0 : i32
    %dma_wait3A_339 = tpu.memref_slice %arg3[%dma_wait3A_337, %dma_wait3A_338] : memref<2000000x32xf32, #tpu.memory_space<hbm>> -> memref<128x32xf32, #tpu.memory_space<hbm>>
    tpu.wait_dma2 semaphore(%arg9 : memref<!tpu.dma_semaphore, #tpu.memory_space<semaphore_mem>>) src(%dma_wait3A_339 : memref<128x32xf32, #tpu.memory_space<hbm>>) dst(%dma_wait3A_336 : memref<128x32xf32, #tpu.memory_space<vmem>>)
    %add3A_340 = arith.constant 10112 : i32
    %add3A_341 = arith.addi %mul3A_2, %add3A_340 : i32
    %dma_start3A_342 = arith.constant 7 : i32
    %dma_start3A_343 = arith.constant 1 : i32
    %dma_start3A_344 = arith.constant 0 : i32
    %dma_start3A_345 = arith.constant 0 : i32
    %dma_start3A_346 = tpu.memref_slice %arg8[%dma_start3A_342, %dma_start3A_344, %dma_start3A_345] : memref<8x128x32xf32, #tpu.memory_space<vmem>> -> memref<1x128x32xf32, #tpu.memory_space<vmem>>
    %dma_start3A_347 = tpu.memref_squeeze %dma_start3A_346 : memref<1x128x32xf32, #tpu.memory_space<vmem>> -> memref<128x32xf32, #tpu.memory_space<vmem>>
    %dma_start3A_348 = arith.constant 0 : i32
    %dma_start3A_349 = tpu.memref_slice %arg4[%add3A_341, %dma_start3A_343, %dma_start3A_348] : memref<327680x2x32xf32, #tpu.memory_space<hbm>> -> memref<128x1x32xf32, #tpu.memory_space<hbm>>
    %dma_start3A_350 = tpu.memref_squeeze %dma_start3A_349 : memref<128x1x32xf32, #tpu.memory_space<hbm>> -> memref<128x32xf32, #tpu.memory_space<hbm>>
    %dma_start3A_351 = arith.constant 0 : i32
    %dma_start3A_352 = tpu.memref_slice %arg4[%add3A_341, %dma_start3A_343, %dma_start3A_351] : memref<327680x2x32xf32, #tpu.memory_space<hbm>> -> memref<128x1x32xf32, #tpu.memory_space<hbm>>
    %dma_start3A_353 = tpu.memref_squeeze %dma_start3A_352 : memref<128x1x32xf32, #tpu.memory_space<hbm>> -> memref<128x32xf32, #tpu.memory_space<hbm>>
    %dma_start3A_354 = arith.constant 0 : i32
    %dma_start3A_355 = arith.constant 0 : i32
    %dma_start3A_356 = tpu.memref_slice %arg8[%dma_start3A_342, %dma_start3A_354, %dma_start3A_355] : memref<8x128x32xf32, #tpu.memory_space<vmem>> -> memref<1x128x32xf32, #tpu.memory_space<vmem>>
    %dma_start3A_357 = tpu.memref_squeeze %dma_start3A_356 : memref<1x128x32xf32, #tpu.memory_space<vmem>> -> memref<128x32xf32, #tpu.memory_space<vmem>>
    tpu.enqueue_dma source(%dma_start3A_357 : memref<128x32xf32, #tpu.memory_space<vmem>>) target(%dma_start3A_353 : memref<128x32xf32, #tpu.memory_space<hbm>>) target_semaphore(%arg10 : memref<!tpu.dma_semaphore, #tpu.memory_space<semaphore_mem>>)
    %dma_wait3A_358 = arith.constant 0 : i32
    %dma_wait3A_359 = arith.constant 0 : i32
    %dma_wait3A_360 = arith.constant 0 : i32
    %dma_wait3A_361 = arith.constant 0 : i32
    %dma_wait3A_362 = tpu.memref_slice %arg8[%dma_wait3A_358, %dma_wait3A_360, %dma_wait3A_361] : memref<8x128x32xf32, #tpu.memory_space<vmem>> -> memref<1x128x32xf32, #tpu.memory_space<vmem>>
    %dma_wait3A_363 = tpu.memref_squeeze %dma_wait3A_362 : memref<1x128x32xf32, #tpu.memory_space<vmem>> -> memref<128x32xf32, #tpu.memory_space<vmem>>
    %dma_wait3A_364 = arith.constant 0 : i32
    %dma_wait3A_365 = tpu.memref_slice %arg4[%mul3A_2, %dma_wait3A_359, %dma_wait3A_364] : memref<327680x2x32xf32, #tpu.memory_space<hbm>> -> memref<128x1x32xf32, #tpu.memory_space<hbm>>
    %dma_wait3A_366 = tpu.memref_squeeze %dma_wait3A_365 : memref<128x1x32xf32, #tpu.memory_space<hbm>> -> memref<128x32xf32, #tpu.memory_space<hbm>>
    %dma_wait3A_367 = arith.constant 0 : i32
    %dma_wait3A_368 = tpu.memref_slice %arg4[%mul3A_2, %dma_wait3A_359, %dma_wait3A_367] : memref<327680x2x32xf32, #tpu.memory_space<hbm>> -> memref<128x1x32xf32, #tpu.memory_space<hbm>>
    %dma_wait3A_369 = tpu.memref_squeeze %dma_wait3A_368 : memref<128x1x32xf32, #tpu.memory_space<hbm>> -> memref<128x32xf32, #tpu.memory_space<hbm>>
    %dma_wait3A_370 = arith.constant 0 : i32
    %dma_wait3A_371 = arith.constant 0 : i32
    %dma_wait3A_372 = tpu.memref_slice %arg8[%dma_wait3A_358, %dma_wait3A_370, %dma_wait3A_371] : memref<8x128x32xf32, #tpu.memory_space<vmem>> -> memref<1x128x32xf32, #tpu.memory_space<vmem>>
    %dma_wait3A_373 = tpu.memref_squeeze %dma_wait3A_372 : memref<1x128x32xf32, #tpu.memory_space<vmem>> -> memref<128x32xf32, #tpu.memory_space<vmem>>
    tpu.wait_dma2 semaphore(%arg10 : memref<!tpu.dma_semaphore, #tpu.memory_space<semaphore_mem>>) src(%dma_wait3A_373 : memref<128x32xf32, #tpu.memory_space<vmem>>) dst(%dma_wait3A_369 : memref<128x32xf32, #tpu.memory_space<hbm>>)
    %dma_wait3A_374 = arith.constant 1 : i32
    %dma_wait3A_375 = arith.constant 0 : i32
    %dma_wait3A_376 = arith.constant 0 : i32
    %dma_wait3A_377 = arith.constant 0 : i32
    %dma_wait3A_378 = tpu.memref_slice %arg8[%dma_wait3A_374, %dma_wait3A_376, %dma_wait3A_377] : memref<8x128x32xf32, #tpu.memory_space<vmem>> -> memref<1x128x32xf32, #tpu.memory_space<vmem>>
    %dma_wait3A_379 = tpu.memref_squeeze %dma_wait3A_378 : memref<1x128x32xf32, #tpu.memory_space<vmem>> -> memref<128x32xf32, #tpu.memory_space<vmem>>
    %dma_wait3A_380 = arith.constant 0 : i32
    %dma_wait3A_381 = tpu.memref_slice %arg4[%mul3A_2, %dma_wait3A_375, %dma_wait3A_380] : memref<327680x2x32xf32, #tpu.memory_space<hbm>> -> memref<128x1x32xf32, #tpu.memory_space<hbm>>
    %dma_wait3A_382 = tpu.memref_squeeze %dma_wait3A_381 : memref<128x1x32xf32, #tpu.memory_space<hbm>> -> memref<128x32xf32, #tpu.memory_space<hbm>>
    %dma_wait3A_383 = arith.constant 0 : i32
    %dma_wait3A_384 = tpu.memref_slice %arg4[%mul3A_2, %dma_wait3A_375, %dma_wait3A_383] : memref<327680x2x32xf32, #tpu.memory_space<hbm>> -> memref<128x1x32xf32, #tpu.memory_space<hbm>>
    %dma_wait3A_385 = tpu.memref_squeeze %dma_wait3A_384 : memref<128x1x32xf32, #tpu.memory_space<hbm>> -> memref<128x32xf32, #tpu.memory_space<hbm>>
    %dma_wait3A_386 = arith.constant 0 : i32
    %dma_wait3A_387 = arith.constant 0 : i32
    %dma_wait3A_388 = tpu.memref_slice %arg8[%dma_wait3A_374, %dma_wait3A_386, %dma_wait3A_387] : memref<8x128x32xf32, #tpu.memory_space<vmem>> -> memref<1x128x32xf32, #tpu.memory_space<vmem>>
    %dma_wait3A_389 = tpu.memref_squeeze %dma_wait3A_388 : memref<1x128x32xf32, #tpu.memory_space<vmem>> -> memref<128x32xf32, #tpu.memory_space<vmem>>
    tpu.wait_dma2 semaphore(%arg10 : memref<!tpu.dma_semaphore, #tpu.memory_space<semaphore_mem>>) src(%dma_wait3A_389 : memref<128x32xf32, #tpu.memory_space<vmem>>) dst(%dma_wait3A_385 : memref<128x32xf32, #tpu.memory_space<hbm>>)
    %dma_wait3A_390 = arith.constant 2 : i32
    %dma_wait3A_391 = arith.constant 0 : i32
    %dma_wait3A_392 = arith.constant 0 : i32
    %dma_wait3A_393 = arith.constant 0 : i32
    %dma_wait3A_394 = tpu.memref_slice %arg8[%dma_wait3A_390, %dma_wait3A_392, %dma_wait3A_393] : memref<8x128x32xf32, #tpu.memory_space<vmem>> -> memref<1x128x32xf32, #tpu.memory_space<vmem>>
    %dma_wait3A_395 = tpu.memref_squeeze %dma_wait3A_394 : memref<1x128x32xf32, #tpu.memory_space<vmem>> -> memref<128x32xf32, #tpu.memory_space<vmem>>
    %dma_wait3A_396 = arith.constant 0 : i32
    %dma_wait3A_397 = tpu.memref_slice %arg4[%mul3A_2, %dma_wait3A_391, %dma_wait3A_396] : memref<327680x2x32xf32, #tpu.memory_space<hbm>> -> memref<128x1x32xf32, #tpu.memory_space<hbm>>
    %dma_wait3A_398 = tpu.memref_squeeze %dma_wait3A_397 : memref<128x1x32xf32, #tpu.memory_space<hbm>> -> memref<128x32xf32, #tpu.memory_space<hbm>>
    %dma_wait3A_399 = arith.constant 0 : i32
    %dma_wait3A_400 = tpu.memref_slice %arg4[%mul3A_2, %dma_wait3A_391, %dma_wait3A_399] : memref<327680x2x32xf32, #tpu.memory_space<hbm>> -> memref<128x1x32xf32, #tpu.memory_space<hbm>>
    %dma_wait3A_401 = tpu.memref_squeeze %dma_wait3A_400 : memref<128x1x32xf32, #tpu.memory_space<hbm>> -> memref<128x32xf32, #tpu.memory_space<hbm>>
    %dma_wait3A_402 = arith.constant 0 : i32
    %dma_wait3A_403 = arith.constant 0 : i32
    %dma_wait3A_404 = tpu.memref_slice %arg8[%dma_wait3A_390, %dma_wait3A_402, %dma_wait3A_403] : memref<8x128x32xf32, #tpu.memory_space<vmem>> -> memref<1x128x32xf32, #tpu.memory_space<vmem>>
    %dma_wait3A_405 = tpu.memref_squeeze %dma_wait3A_404 : memref<1x128x32xf32, #tpu.memory_space<vmem>> -> memref<128x32xf32, #tpu.memory_space<vmem>>
    tpu.wait_dma2 semaphore(%arg10 : memref<!tpu.dma_semaphore, #tpu.memory_space<semaphore_mem>>) src(%dma_wait3A_405 : memref<128x32xf32, #tpu.memory_space<vmem>>) dst(%dma_wait3A_401 : memref<128x32xf32, #tpu.memory_space<hbm>>)
    %dma_wait3A_406 = arith.constant 3 : i32
    %dma_wait3A_407 = arith.constant 0 : i32
    %dma_wait3A_408 = arith.constant 0 : i32
    %dma_wait3A_409 = arith.constant 0 : i32
    %dma_wait3A_410 = tpu.memref_slice %arg8[%dma_wait3A_406, %dma_wait3A_408, %dma_wait3A_409] : memref<8x128x32xf32, #tpu.memory_space<vmem>> -> memref<1x128x32xf32, #tpu.memory_space<vmem>>
    %dma_wait3A_411 = tpu.memref_squeeze %dma_wait3A_410 : memref<1x128x32xf32, #tpu.memory_space<vmem>> -> memref<128x32xf32, #tpu.memory_space<vmem>>
    %dma_wait3A_412 = arith.constant 0 : i32
    %dma_wait3A_413 = tpu.memref_slice %arg4[%mul3A_2, %dma_wait3A_407, %dma_wait3A_412] : memref<327680x2x32xf32, #tpu.memory_space<hbm>> -> memref<128x1x32xf32, #tpu.memory_space<hbm>>
    %dma_wait3A_414 = tpu.memref_squeeze %dma_wait3A_413 : memref<128x1x32xf32, #tpu.memory_space<hbm>> -> memref<128x32xf32, #tpu.memory_space<hbm>>
    %dma_wait3A_415 = arith.constant 0 : i32
    %dma_wait3A_416 = tpu.memref_slice %arg4[%mul3A_2, %dma_wait3A_407, %dma_wait3A_415] : memref<327680x2x32xf32, #tpu.memory_space<hbm>> -> memref<128x1x32xf32, #tpu.memory_space<hbm>>
    %dma_wait3A_417 = tpu.memref_squeeze %dma_wait3A_416 : memref<128x1x32xf32, #tpu.memory_space<hbm>> -> memref<128x32xf32, #tpu.memory_space<hbm>>
    %dma_wait3A_418 = arith.constant 0 : i32
    %dma_wait3A_419 = arith.constant 0 : i32
    %dma_wait3A_420 = tpu.memref_slice %arg8[%dma_wait3A_406, %dma_wait3A_418, %dma_wait3A_419] : memref<8x128x32xf32, #tpu.memory_space<vmem>> -> memref<1x128x32xf32, #tpu.memory_space<vmem>>
    %dma_wait3A_421 = tpu.memref_squeeze %dma_wait3A_420 : memref<1x128x32xf32, #tpu.memory_space<vmem>> -> memref<128x32xf32, #tpu.memory_space<vmem>>
    tpu.wait_dma2 semaphore(%arg10 : memref<!tpu.dma_semaphore, #tpu.memory_space<semaphore_mem>>) src(%dma_wait3A_421 : memref<128x32xf32, #tpu.memory_space<vmem>>) dst(%dma_wait3A_417 : memref<128x32xf32, #tpu.memory_space<hbm>>)
    %dma_wait3A_422 = arith.constant 4 : i32
    %dma_wait3A_423 = arith.constant 0 : i32
    %dma_wait3A_424 = arith.constant 0 : i32
    %dma_wait3A_425 = arith.constant 0 : i32
    %dma_wait3A_426 = tpu.memref_slice %arg8[%dma_wait3A_422, %dma_wait3A_424, %dma_wait3A_425] : memref<8x128x32xf32, #tpu.memory_space<vmem>> -> memref<1x128x32xf32, #tpu.memory_space<vmem>>
    %dma_wait3A_427 = tpu.memref_squeeze %dma_wait3A_426 : memref<1x128x32xf32, #tpu.memory_space<vmem>> -> memref<128x32xf32, #tpu.memory_space<vmem>>
    %dma_wait3A_428 = arith.constant 0 : i32
    %dma_wait3A_429 = tpu.memref_slice %arg4[%mul3A_2, %dma_wait3A_423, %dma_wait3A_428] : memref<327680x2x32xf32, #tpu.memory_space<hbm>> -> memref<128x1x32xf32, #tpu.memory_space<hbm>>
    %dma_wait3A_430 = tpu.memref_squeeze %dma_wait3A_429 : memref<128x1x32xf32, #tpu.memory_space<hbm>> -> memref<128x32xf32, #tpu.memory_space<hbm>>
    %dma_wait3A_431 = arith.constant 0 : i32
    %dma_wait3A_432 = tpu.memref_slice %arg4[%mul3A_2, %dma_wait3A_423, %dma_wait3A_431] : memref<327680x2x32xf32, #tpu.memory_space<hbm>> -> memref<128x1x32xf32, #tpu.memory_space<hbm>>
    %dma_wait3A_433 = tpu.memref_squeeze %dma_wait3A_432 : memref<128x1x32xf32, #tpu.memory_space<hbm>> -> memref<128x32xf32, #tpu.memory_space<hbm>>
    %dma_wait3A_434 = arith.constant 0 : i32
    %dma_wait3A_435 = arith.constant 0 : i32
    %dma_wait3A_436 = tpu.memref_slice %arg8[%dma_wait3A_422, %dma_wait3A_434, %dma_wait3A_435] : memref<8x128x32xf32, #tpu.memory_space<vmem>> -> memref<1x128x32xf32, #tpu.memory_space<vmem>>
    %dma_wait3A_437 = tpu.memref_squeeze %dma_wait3A_436 : memref<1x128x32xf32, #tpu.memory_space<vmem>> -> memref<128x32xf32, #tpu.memory_space<vmem>>
    tpu.wait_dma2 semaphore(%arg10 : memref<!tpu.dma_semaphore, #tpu.memory_space<semaphore_mem>>) src(%dma_wait3A_437 : memref<128x32xf32, #tpu.memory_space<vmem>>) dst(%dma_wait3A_433 : memref<128x32xf32, #tpu.memory_space<hbm>>)
    %dma_wait3A_438 = arith.constant 5 : i32
    %dma_wait3A_439 = arith.constant 0 : i32
    %dma_wait3A_440 = arith.constant 0 : i32
    %dma_wait3A_441 = arith.constant 0 : i32
    %dma_wait3A_442 = tpu.memref_slice %arg8[%dma_wait3A_438, %dma_wait3A_440, %dma_wait3A_441] : memref<8x128x32xf32, #tpu.memory_space<vmem>> -> memref<1x128x32xf32, #tpu.memory_space<vmem>>
    %dma_wait3A_443 = tpu.memref_squeeze %dma_wait3A_442 : memref<1x128x32xf32, #tpu.memory_space<vmem>> -> memref<128x32xf32, #tpu.memory_space<vmem>>
    %dma_wait3A_444 = arith.constant 0 : i32
    %dma_wait3A_445 = tpu.memref_slice %arg4[%mul3A_2, %dma_wait3A_439, %dma_wait3A_444] : memref<327680x2x32xf32, #tpu.memory_space<hbm>> -> memref<128x1x32xf32, #tpu.memory_space<hbm>>
    %dma_wait3A_446 = tpu.memref_squeeze %dma_wait3A_445 : memref<128x1x32xf32, #tpu.memory_space<hbm>> -> memref<128x32xf32, #tpu.memory_space<hbm>>
    %dma_wait3A_447 = arith.constant 0 : i32
    %dma_wait3A_448 = tpu.memref_slice %arg4[%mul3A_2, %dma_wait3A_439, %dma_wait3A_447] : memref<327680x2x32xf32, #tpu.memory_space<hbm>> -> memref<128x1x32xf32, #tpu.memory_space<hbm>>
    %dma_wait3A_449 = tpu.memref_squeeze %dma_wait3A_448 : memref<128x1x32xf32, #tpu.memory_space<hbm>> -> memref<128x32xf32, #tpu.memory_space<hbm>>
    %dma_wait3A_450 = arith.constant 0 : i32
    %dma_wait3A_451 = arith.constant 0 : i32
    %dma_wait3A_452 = tpu.memref_slice %arg8[%dma_wait3A_438, %dma_wait3A_450, %dma_wait3A_451] : memref<8x128x32xf32, #tpu.memory_space<vmem>> -> memref<1x128x32xf32, #tpu.memory_space<vmem>>
    %dma_wait3A_453 = tpu.memref_squeeze %dma_wait3A_452 : memref<1x128x32xf32, #tpu.memory_space<vmem>> -> memref<128x32xf32, #tpu.memory_space<vmem>>
    tpu.wait_dma2 semaphore(%arg10 : memref<!tpu.dma_semaphore, #tpu.memory_space<semaphore_mem>>) src(%dma_wait3A_453 : memref<128x32xf32, #tpu.memory_space<vmem>>) dst(%dma_wait3A_449 : memref<128x32xf32, #tpu.memory_space<hbm>>)
    %dma_wait3A_454 = arith.constant 6 : i32
    %dma_wait3A_455 = arith.constant 0 : i32
    %dma_wait3A_456 = arith.constant 0 : i32
    %dma_wait3A_457 = arith.constant 0 : i32
    %dma_wait3A_458 = tpu.memref_slice %arg8[%dma_wait3A_454, %dma_wait3A_456, %dma_wait3A_457] : memref<8x128x32xf32, #tpu.memory_space<vmem>> -> memref<1x128x32xf32, #tpu.memory_space<vmem>>
    %dma_wait3A_459 = tpu.memref_squeeze %dma_wait3A_458 : memref<1x128x32xf32, #tpu.memory_space<vmem>> -> memref<128x32xf32, #tpu.memory_space<vmem>>
    %dma_wait3A_460 = arith.constant 0 : i32
    %dma_wait3A_461 = tpu.memref_slice %arg4[%mul3A_2, %dma_wait3A_455, %dma_wait3A_460] : memref<327680x2x32xf32, #tpu.memory_space<hbm>> -> memref<128x1x32xf32, #tpu.memory_space<hbm>>
    %dma_wait3A_462 = tpu.memref_squeeze %dma_wait3A_461 : memref<128x1x32xf32, #tpu.memory_space<hbm>> -> memref<128x32xf32, #tpu.memory_space<hbm>>
    %dma_wait3A_463 = arith.constant 0 : i32
    %dma_wait3A_464 = tpu.memref_slice %arg4[%mul3A_2, %dma_wait3A_455, %dma_wait3A_463] : memref<327680x2x32xf32, #tpu.memory_space<hbm>> -> memref<128x1x32xf32, #tpu.memory_space<hbm>>
    %dma_wait3A_465 = tpu.memref_squeeze %dma_wait3A_464 : memref<128x1x32xf32, #tpu.memory_space<hbm>> -> memref<128x32xf32, #tpu.memory_space<hbm>>
    %dma_wait3A_466 = arith.constant 0 : i32
    %dma_wait3A_467 = arith.constant 0 : i32
    %dma_wait3A_468 = tpu.memref_slice %arg8[%dma_wait3A_454, %dma_wait3A_466, %dma_wait3A_467] : memref<8x128x32xf32, #tpu.memory_space<vmem>> -> memref<1x128x32xf32, #tpu.memory_space<vmem>>
    %dma_wait3A_469 = tpu.memref_squeeze %dma_wait3A_468 : memref<1x128x32xf32, #tpu.memory_space<vmem>> -> memref<128x32xf32, #tpu.memory_space<vmem>>
    tpu.wait_dma2 semaphore(%arg10 : memref<!tpu.dma_semaphore, #tpu.memory_space<semaphore_mem>>) src(%dma_wait3A_469 : memref<128x32xf32, #tpu.memory_space<vmem>>) dst(%dma_wait3A_465 : memref<128x32xf32, #tpu.memory_space<hbm>>)
    %dma_wait3A_470 = arith.constant 7 : i32
    %dma_wait3A_471 = arith.constant 0 : i32
    %dma_wait3A_472 = arith.constant 0 : i32
    %dma_wait3A_473 = arith.constant 0 : i32
    %dma_wait3A_474 = tpu.memref_slice %arg8[%dma_wait3A_470, %dma_wait3A_472, %dma_wait3A_473] : memref<8x128x32xf32, #tpu.memory_space<vmem>> -> memref<1x128x32xf32, #tpu.memory_space<vmem>>
    %dma_wait3A_475 = tpu.memref_squeeze %dma_wait3A_474 : memref<1x128x32xf32, #tpu.memory_space<vmem>> -> memref<128x32xf32, #tpu.memory_space<vmem>>
    %dma_wait3A_476 = arith.constant 0 : i32
    %dma_wait3A_477 = tpu.memref_slice %arg4[%mul3A_2, %dma_wait3A_471, %dma_wait3A_476] : memref<327680x2x32xf32, #tpu.memory_space<hbm>> -> memref<128x1x32xf32, #tpu.memory_space<hbm>>
    %dma_wait3A_478 = tpu.memref_squeeze %dma_wait3A_477 : memref<128x1x32xf32, #tpu.memory_space<hbm>> -> memref<128x32xf32, #tpu.memory_space<hbm>>
    %dma_wait3A_479 = arith.constant 0 : i32
    %dma_wait3A_480 = tpu.memref_slice %arg4[%mul3A_2, %dma_wait3A_471, %dma_wait3A_479] : memref<327680x2x32xf32, #tpu.memory_space<hbm>> -> memref<128x1x32xf32, #tpu.memory_space<hbm>>
    %dma_wait3A_481 = tpu.memref_squeeze %dma_wait3A_480 : memref<128x1x32xf32, #tpu.memory_space<hbm>> -> memref<128x32xf32, #tpu.memory_space<hbm>>
    %dma_wait3A_482 = arith.constant 0 : i32
    %dma_wait3A_483 = arith.constant 0 : i32
    %dma_wait3A_484 = tpu.memref_slice %arg8[%dma_wait3A_470, %dma_wait3A_482, %dma_wait3A_483] : memref<8x128x32xf32, #tpu.memory_space<vmem>> -> memref<1x128x32xf32, #tpu.memory_space<vmem>>
    %dma_wait3A_485 = tpu.memref_squeeze %dma_wait3A_484 : memref<1x128x32xf32, #tpu.memory_space<vmem>> -> memref<128x32xf32, #tpu.memory_space<vmem>>
    tpu.wait_dma2 semaphore(%arg10 : memref<!tpu.dma_semaphore, #tpu.memory_space<semaphore_mem>>) src(%dma_wait3A_485 : memref<128x32xf32, #tpu.memory_space<vmem>>) dst(%dma_wait3A_481 : memref<128x32xf32, #tpu.memory_space<hbm>>)
    return
  }
}

module attributes {stable_mosaic.version = 14 : i64} {
  func.func @_transpose_body(%arg0: i32, %arg1: memref<64x2048xf32, #tpu.memory_space<vmem>>, %arg2: memref<1024x128xf32, #tpu.memory_space<vmem>>) attributes {dimension_semantics = [#tpu.dimension_semantics<arbitrary>], iteration_bounds = array<i64: 489>, scalar_prefetch = 0 : i64, scratch_operands = 0 : i64, tpu.core_type = #tpu.core_type<tc>, window_params = [{transform_indices = @transform_0, window_bounds = array<i64: 64, 2048>}, {transform_indices = @transform_1, window_bounds = array<i64: 1024, 128>}]} {
    %get3A = arith.constant 0 : index
    %get3A_0 = arith.constant 0 : index
    %get3A_1 = vector.load %arg1[%get3A, %get3A_0] : memref<64x2048xf32, #tpu.memory_space<vmem>>, vector<64x2048xf32>
    %transpose3A = tpu.transpose %get3A_1, [1, 0] : vector<64x2048xf32> -> vector<2048x64xf32>
    %reshape3A = vector.shape_cast %transpose3A : vector<2048x64xf32> to vector<1024x2x64xf32>
    %slice3A = vector.extract_strided_slice %reshape3A {offsets = [0, 0, 0], sizes = [1024, 1, 64], strides = [1, 1, 1]} : vector<1024x2x64xf32> to vector<1024x1x64xf32>
    %squeeze3A = vector.shape_cast %slice3A : vector<1024x1x64xf32> to vector<1024x64xf32>
    %swap3A = arith.constant 0 : index
    %swap3A_2 = arith.constant 0 : index
    %swap3A_3 = vector.load %arg2[%swap3A, %swap3A_2] : memref<1024x128xf32, #tpu.memory_space<vmem>>, vector<1024x64xf32>
    tpu.vector_store %arg2[%swap3A, %swap3A_2], %squeeze3A {strides = array<i32>} : memref<1024x128xf32, #tpu.memory_space<vmem>>, vector<1024x64xf32>,
    %slice3A_4 = vector.extract_strided_slice %reshape3A {offsets = [0, 1, 0], sizes = [1024, 1, 64], strides = [1, 1, 1]} : vector<1024x2x64xf32> to vector<1024x1x64xf32>
    %squeeze3A_5 = vector.shape_cast %slice3A_4 : vector<1024x1x64xf32> to vector<1024x64xf32>
    %swap3A_6 = arith.constant 0 : index
    %swap3A_7 = arith.constant 64 : index
    %swap3A_8 = vector.load %arg2[%swap3A_6, %swap3A_7] : memref<1024x128xf32, #tpu.memory_space<vmem>>, vector<1024x64xf32>
    tpu.vector_store %arg2[%swap3A_6, %swap3A_7], %squeeze3A_5 {strides = array<i32>} : memref<1024x128xf32, #tpu.memory_space<vmem>>, vector<1024x64xf32>,
    return
  }
  func.func @transform_0(%arg0: i32) -> (i32, i32) {
    %c0_i32 = arith.constant 0 : i32
    %c0_i32_0 = arith.constant 0 : i32
    return %c0_i32, %arg0 : i32, i32
  }
  func.func @transform_1(%arg0: i32) -> (i32, i32) {
    %c0_i32 = arith.constant 0 : i32
    %c0_i32_0 = arith.constant 0 : i32
    return %arg0, %c0_i32 : i32, i32
  }
}

</mosaic_0001>

<sc_bundles>
// kernel: kernel.4.cloned.1.call-start
scs
__scs_entry_jumppad:
0x0: {  	(pc) =	sbr.rel $0x88, $3  }
0x1: {  	(tag) =	ssettag $0x0;
	lr =	simm.s32 $0x1  }
0x2: {  	[smem:$0x3F9F] =	sst lr;
	_ =	strace $0xD0000000  }
0x3: {  	_ = 	snop  }
0x4: {  	_ = 	snop  }
0x5: {  	_ = 	snop  }
0x6: {  	_ = 	snop  }
0x7: {  	_ = 	snop  }
__scs_overlays_trampoline_lowered:
0x8: {  	[smem:$0x3FAE] =	sst s0  }
0x9: {  	[smem:$0x3FAF] =	sst s1  }
0xa: {  	[smem:$0x3FB0] =	sst s2  }
0xb: {  	[smem:$0x3FB1] =	sst s3  }
0xc: {  	[smem:$0x3FB2] =	sst s4  }
0xd: {  	[smem:$0x3FB3] =	sst s5  }
0xe: {  	[smem:$0x3FB4] =	sst s6  }
0xf: {  	[smem:$0x3FB5] =	sst s7  }
0x10: {  	[smem:$0x3FB6] =	sst s8  }
0x11: {  	[smem:$0x3FB7] =	sst s9;
	s0 =	simm.s32 @!p0 $0x0  }
0x12: {  	s1 =	sld [smem:$0x3F9D];
	s0 =	simm.s32 @p0 $0x1  }
0x13: {  	[smem:$0x3FB8] =	sst s0;
	s0 =	simm.s32 @!p1 $0x0  }
0x14: {  	s2 =	sld [smem:$0x3F9C];
	s0 =	simm.s32 @p1 $0x1  }
0x15: {  	[smem:$0x3FB9] =	sst s0;
	s0 =	simm.s32 @!p2 $0x0  }
0x16: {  	s3 =	sld [smem:$0x3FDB];
	s0 =	simm.s32 @p2 $0x1  }
0x17: {  	s4 =	simm.s32 $0x1BF5;
	[smem:$0x3FBB] =	sst s0  }
0x18: {  	s0 =	sld [smem:$0x3F9E];
	_ =	swait.ge [sflag:s4], $0x0  }
0x19: {  	s7 =	sld [smem:$0x3F9F]  }
0x1a: {  	s8 =	sadd.s32 $0xFFFFE003, lr  }
0x1b: {  	s9 =	sadd.s32 $0xFFFFFEF7, lr;
	s5 =	simm.s32 $0xFFFFFFFF;
	p2 =	slt.u32 s8, $0xFFFFF086  }
0x1c: {  	p1 =	slt.u32 s9, $0xF7A;
	s5 =	simm.s32 @!p2 $0x0  }
0x1d: {  	s5 =	simm.s32 @p1 $0x1;
	p0 =	seq.s32 s7, s2  }
0x1e: {  	s7 =	smul.u32 @!p0 $0xF7A, s2;
	p2 =	seq.s32 @!p0 s5, $0x0  }
0x1f: {  	s9 =	smul.u32 $0xF7A, s1;
	s8 =	simm.s32 @!p0 $0x1BF5;
	p2 =	por !p2, p0  }
0x20: {  	[sflag:s8] =	ssyncset.s32 @!p0 $0xFFFFF086;
	s6 =	sadd.s32 @!p0 s3, s7;
	s7 =	simm.s32 @!p0 $0x108  }
0x21: {  	s3 =	sadd.s32 s3, s9;
	s6 =	sadd.s32 @!p0 $0x88, s6;
	s7 =	simm.s32 @p2 $0x1082  }
0x22: {  	[simem:s7], [sflag:s8] =	dma.local @!p0 [hbm:s6], $0xF7A  }
0x23: {  	s9 =	sor.u32 $0xD0000000, s2;
	s6 =	simm.s32 $0x108;
	_ =	swait.ge @!p0 [sflag:s8], $0x0  }
0x24: {  	s3 =	sadd.s32 $0x88, s3;
	s6 =	simm.s32 @!p1 $0x1082;
	[sflag:s4] =	ssyncset.s32 $0xFFFFF086  }
0x25: {  	[simem:s6], [sflag:s4] =	dma.local [hbm:s3], $0xF7A  }
0x26: {  	[smem:$0x3F9F] =	sst s1;
	(tag) =	ssettag s2;
	_ =	strace s9  }
0x27: {  	s1 =	sld [smem:$0x3FAF]  }
0x28: {  	s2 =	sld [smem:$0x3FB0]  }
0x29: {  	s4 =	sld [smem:$0x3FB2]  }
0x2a: {  	p0 =	seq.s32 s5, $0x0;
	s5 =	sld [smem:$0x3FB3]  }
0x2b: {  	s6 =	sld [smem:$0x3FB4]  }
0x2c: {  	s7 =	sld [smem:$0x3FB5]  }
0x2d: {  	s3 =	simm.s32 $0x108;
	s8 =	sld [smem:$0x3FB6]  }
0x2e: {  	s3 =	simm.s32 @!p0 $0x1082;
	s9 =	sld [smem:$0x3FB7]  }
0x2f: {  	lr =	sadd.s32 s0, s3;
	s0 =	sld [smem:$0x3FAE]  }
0x30: {  	s3 =	sld [smem:$0x3FB1]  }
0x31: {  	[smem:$0x3FBA] =	sst s10  }
0x32: {  	s10 =	sld [smem:$0x3FB8];
	_ =	sdelay $0x3  }
0x33: {  	p0 =	seq.s32 s10, $0x1;
	s10 =	sld [smem:$0x3FBA];
	_ =	sdelay $0x3  }
0x34: {  	[smem:$0x3FBA] =	sst s10  }
0x35: {  	s10 =	sld [smem:$0x3FB9];
	_ =	sdelay $0x3  }
0x36: {  	p1 =	seq.s32 s10, $0x1;
	s10 =	sld [smem:$0x3FBA];
	_ =	sdelay $0x3  }
0x37: {  	[smem:$0x3FBA] =	sst s10  }
0x38: {  	s10 =	sld [smem:$0x3FBB]  }
0x39: {  	_ = 	snop;
	(pc) =	sbr.ind lr, $3  }
0x3a: {  	_ = 	snop  }
0x3b: {  	_ = 	snop  }
0x3c: {  	p2 =	seq.s32 s10, $0x1;
	s10 =	sld [smem:$0x3FBA]  }
0x3d: {  	_ =	shalt  }
0x3e: {  	_ =	shalt  }
0x3f: {  	_ =	shalt  }
0x40: {  	_ =	shalt  }
0x41: {  	_ =	shalt  }
0x42: {  	_ =	shalt  }
0x43: {  	_ =	shalt  }
0x44: {  	_ =	shalt  }
0x45: {  	_ =	shalt  }
0x46: {  	_ =	shalt  }
0x47: {  	_ =	shalt  }
0x48: {  	_ =	shalt  }
0x49: {  	_ =	shalt  }
0x4a: {  	_ =	shalt  }
0x4b: {  	_ =	shalt  }
0x4c: {  	_ =	shalt  }
0x4d: {  	_ =	shalt  }
0x4e: {  	_ =	shalt  }
0x4f: {  	_ =	shalt  }
0x50: {  	_ =	shalt  }
0x51: {  	_ =	shalt  }
0x52: {  	_ =	shalt  }
0x53: {  	_ =	shalt  }
0x54: {  	_ =	shalt  }
0x55: {  	_ =	shalt  }
0x56: {  	_ =	shalt  }
0x57: {  	_ =	shalt  }
0x58: {  	_ =	shalt  }
0x59: {  	_ =	shalt  }
0x5a: {  	_ =	shalt  }
0x5b: {  	_ =	shalt  }
0x5c: {  	_ =	shalt  }
0x5d: {  	_ =	shalt  }
0x5e: {  	_ =	shalt  }
0x5f: {  	_ =	shalt  }
0x60: {  	_ =	shalt  }
0x61: {  	_ =	shalt  }
0x62: {  	_ =	shalt  }
0x63: {  	_ =	shalt  }
0x64: {  	_ =	shalt  }
0x65: {  	_ =	shalt  }
0x66: {  	_ =	shalt  }
0x67: {  	_ =	shalt  }
0x68: {  	_ =	shalt  }
0x69: {  	_ =	shalt  }
0x6a: {  	_ =	shalt  }
0x6b: {  	_ =	shalt  }
0x6c: {  	_ =	shalt  }
0x6d: {  	_ =	shalt  }
0x6e: {  	_ =	shalt  }
0x6f: {  	_ =	shalt  }
0x70: {  	_ =	shalt  }
0x71: {  	_ =	shalt  }
0x72: {  	_ =	shalt  }
0x73: {  	_ =	shalt  }
0x74: {  	_ =	shalt  }
0x75: {  	_ =	shalt  }
0x76: {  	_ =	shalt  }
0x77: {  	_ =	shalt  }
0x78: {  	_ =	shalt  }
0x79: {  	_ =	shalt  }
0x7a: {  	_ =	shalt  }
0x7b: {  	_ =	shalt  }
0x7c: {  	_ =	shalt  }
0x7d: {  	_ =	shalt  }
0x7e: {  	_ =	shalt  }
0x7f: {  	_ =	shalt  }
0x80: {  	_ =	shalt  }
0x81: {  	_ =	shalt  }
0x82: {  	_ =	shalt  }
0x83: {  	_ =	shalt  }
0x84: {  	_ =	shalt  }
0x85: {  	_ =	shalt  }
0x86: {  	_ =	shalt  }
0x87: {  	_ =	shalt  }
.Lfunc_end0:
.L_simem_size_0:
called_computation.1_lowered:
.L_overlay_start_0:
0x88: {  	s2 =	sld [smem:$0x3FD9]  }
0x89: {  	s3 =	sld [smem:$0x3FFE];
	_ =	sdelay $0x1  }
0x8a: {  	s1 =	srdreg.scid  }
0x8b: {  	s0 =	sand.u32 $0x1, s1  }
0x8c: {  	s17 =	sshll.u32 s0, $0xA;
	s2 =	sadd.s32 s3, s2  }
0x8d: {  	s2 =	sadd.s32 s2, s17  }
0x8e: {  	[smem:$0x3FC6] =	sst s2  }
0x8f: {  	_ = 	snop  }
0x90: {  	s2 =	sld [smem:$0x3FD0];
	(tm) =	ssettm $0x1  }
0x91: {  	s18 =	sld [smem:$0x3FFB];
	_ =	sdelay $0x3  }
0x92: {  	_ =	strace s18  }
0x93: {  	s3 =	sld [smem:$0x3FFC];
	_ =	sdelay $0x3  }
0x94: {  	_ =	strace s3  }
0x95: {  	s3 =	sld [smem:$0x3FFD];
	_ =	sdelay $0x3  }
0x96: {  	_ =	strace s3  }
0x97: {  	_ =	strace $0x8FFFFFFF  }
0x98: {  	s19 =	sld [smem:$0x3FDB];
	_ =	sdelay $0x1  }
0x99: {  	s4 =	simm.s32 $_scs_section_size  }
0x9a: {  	s5 =	simm.s32 $_size__tile_overlayer_lowered;
	s6 =	simm.s32 $_tile_overlayer_lowered  }
0x9b: {  	s22 =	simm.s32 $0x1BFF;
	s21 =	sshll.u32 s6, $0x1;
	s3 =	sadd.s32 s4, s19  }
0x9c: {  	s7 =	simm.s32 $0x0;
	s20 =	sshll.u32 s5, $0x1;
	s5 =	sadd.s32 s21, s3  }
0x9d: {  	[timem:s7], [sflag:s22] =	dma.local [hbm:s5], s20  }
0x9e: {  	_ =	swait.ge [sflag:s22], s20  }
0x9f: {  	s4 =	ssub.s32 $0x0, s20;
	[sflag:s22] =	ssyncset.done $0x0  }
0xa0: {  	[sflag:s22] =	ssyncadd.s32 s4;
	_ =	sdelay $0x1  }
0xa1: {  	s23 =	simm.s32 $0x1B8B  }
0xa2: {  	_ =	swait.ge [sflag:s23], $0x1  }
0xa3: {  	[sflag:s23] =	ssyncset.done $0x0  }
0xa4: {  	s25 =	simm.s32 $0x1B8E;
	s24 =	sld [smem:$0x3FFE];
	[sflag:s23] =	ssyncadd.s32 $0xFFFFFFFF  }
0xa5: {  	s26 =	simm.s32 $execute0_lowered;
	[smem:$0x3FD2] =	sst s25  }
0xa6: {  	s5 =	sshll.u32 s26, $0x1;
	_ =	strace $0x80000046;
	[dreg:$0x1] =	wrdreg $0xFFFFFFFF  }
0xa7: {  	s28 =	simm.s32 $_size_execute0_lowered;
	s3 =	sadd.s32 s3, s5;
	[dreg:$0x0] =	wrdreg $0x0  }
0xa8: {  	s5 =	sshll.u32 s28, $0x1;
	[dreg:$0x2] =	wrdreg s3  }
0xa9: {  	[dreg:$0x3] =	wrdreg s5  }
0xaa: {  	[dreg:$0x4] =	wrdreg $0xC0  }
0xab: {  	_ =	task [dreg:s7], $0x5FFFF  }
0xac: {  	[dreg:$0x1] =	wrdreg $0xFFFFFFFF  }
0xad: {  	[dreg:$0x0] =	wrdreg $0x60  }
0xae: {  	[dreg:$0x2] =	wrdreg s24  }
0xaf: {  	[dreg:$0x3] =	wrdreg s2  }
0xb0: {  	[dreg:$0x4] =	wrdreg $0x9  }
0xb1: {  	_ =	task.clear_ibuf [dreg:s7], $0x5FFFF;
	_ =	strace $0x90000046  }
0xb2: {  	s29 =	simm.s32 $0x9;
	_ =	strace $0x80000048  }
0xb3: {  	_ =	swait.ge [sflag:s29], $0x1  }
0xb4: {  	[sflag:s29] =	ssyncadd.s32 $0xFFFFFFFF  }
0xb5: {  	_ =	strace $0x90000048  }
0xb6: {  	_ =	sfence  }
0xb7: {  	s30 =	sld [smem:$0x0];
	_ =	sdelay $0x2  }
0xb8: {  	s31 =	sshll.u32 s1, $0xD;
	s1 =	sshrl.u32 s1, $0x2  }
0xb9: {  	s3 =	sand.u32 $0x4000, s31;
	s1 =	sadd.s32 s1, s30  }
0xba: {  	s0 =	sor.u32 s3, s0;
	s1 =	sshll.u32 s1, $0x11  }
0xbb: {  	s0 =	sor.u32 s1, s0  }
0xbc: {  	s0 =	sadd.s32 $0x8F2B, s0  }
0xbd: {  	[sflag:s0] =	ssyncadd.remote.s32 $0x1  }
0xbe: {  	_ =	sfence.sel $0xFFFF  }
0xbf: {  	[dreg:$0x0] =	wrdreg $0xFFFFFFFF;
	(pc) =	sbr.abs _section_cstart, $3  }
0xc0: {  	[dreg:$0x1] =	wrdreg $0xFFFFFFFF  }
0xc1: {  	_ =	task.clear_ibuf [dreg:s7], $0x2FFFF;
	_ =	strace $0x9FFFFFFF  }
0xc2: {  	(tm) =	ssettm $0x7FFFFFFF  }
0xc3: {  	_ =	shalt  }
tec
execute0_lowered:
.L_overlay_start_1:
0x0: {  	(tag) =	ssettag $0x1  }
0x1: {  	s0 =	rddreg [dreg:$0x0];
	s1 =	srdreg.scid  }
0x2: {  	s5 =	stileid.u32;
	s6 =	rddreg [dreg:$0x1];
	s3 =	simm.s32 $0x0  }
0x3: {  	s29 =	simm.s32 $0xB800;
	s30 =	simm.s32 $0x1;
	s31 =	simm.s32 $0x20  }
0x4: {  	s28 =	simm.s32 $0x2;
	s1 =	sand.u32 $0x1, s1;
	s2 =	sshll.u32 s5, $0x1  }
0x5: {  	[smem:$0x7FF] =	sst s3;
	s9 =	smul.u32 $0x5000, s5;
	s5 =	sadd.s32 $0xA800, s0  }
0x6: {  	s2 =	sor.u32 s1, s2;
	s7 =	ssub.s32 $0x2, s1;
	s1 =	smul.u32 $0x2800, s1  }
0x7: {  	_ =	strace $0x80000047;
	s15 =	smul.u32 $0x2800, s2;
	s17 =	sshrl.u32 s7, $0x1  }
0x8: {  	s4 =	smul.u32 $0xA0000, s2;
	s18 =	ssub.s32 s7, s17;
	s7 =	sadd.s32 $0x4, s6  }
0x9: {  	s1 =	sadd.s32 s1, s9;
	s17 =	simm.s32 $0x3;
	s3 =	sshrl.u32 s15, $0x3  }
0xa: {  	s19 =	sshrl.u32 s4, $0x3;
	s1 =	sshll.u32 s1, $0x3;
	s16 =	sadd.s32 s3, s0  }
0xb: {  	s8 =	sadd.s32 s6, s19;
	s23 =	sor.u32 $0xC00, s1;
	s24 =	sor.u32 $0x800, s1  }
0xc: {  	s25 =	sor.u32 $0x1400, s1;
	s26 =	sor.u32 $0x1000, s1;
	s1 =	simm.s32 $0x40  }
0xd: {  	s3 =	simm.s32 $0xC800;
	s0 =	simm.s32 $0x0;
	[dreg:$0x3] =	wrdreg s23  }
0xe: {  	s2 =	sadd.s32 $0x800, s16;
	s20 =	sadd.s32 $0x400, s8;
	[dreg:$0x4] =	wrdreg s24  }
0xf: {  	s21 =	sadd.s32 $0x404, s8;
	s22 =	sadd.s32 $0x13800, s8;
	[dreg:$0x5] =	wrdreg s25  }
0x10: {  	s13 =	sadd.s32 $0x13804, s8;
	s14 =	sadd.s32 $0x13C00, s8;
	[dreg:$0x6] =	wrdreg s26  }
0x11: {  	s15 =	sadd.s32 $0x13C04, s8;
	s16 =	smax.u32 s18, $0x1;
	[dreg:$0x7] =	wrdreg s2  }
0x12: {  	s18 =	simm.s32 $0x80;
	s24 =	simm.s32 $0x9800;
	[dreg:$0x9] =	wrdreg s20  }
0x13: {  	s26 =	simm.s32 $0xA800;
	s25 =	simm.s32 $0xE800;
	[dreg:$0xa] =	wrdreg s21  }
0x14: {  	s2 =	sadd.s32 s19, s7;
	[dreg:$0xb] =	wrdreg s22;
	s20 =	simm.s32 $0x7800  }
0x15: {  	s22 =	simm.s32 $0x8800;
	s21 =	simm.s32 $0xD800;
	[dreg:$0x8] =	wrdreg s2  }
.LBB2_1:
0x16: {  	s2 =	simm.s32 $0x0;
	s9 =	rddreg [dreg:$0x7]  }
0x17: {  	[tilespmem:s2], [sflag:$0x3] =	stream.linear.gather [hbm4b:s9+s2], $0x2800, $0x38;
	[tilespmem:$0xF800] =	vst v63  }
0x18: {  	_ =	swait.ge [sflag:s17], $0x2800  }
0x19: {  	[sflag:s17] =	ssyncset.done $0x0  }
0x1a: {  	s2 =	simm.s32 $0x0;
	[sflag:s17] =	ssyncadd.s32 $0xFFFFD800  }
0x1b: {  	v0 =	vld [tilespmem:s2+$0x0]  }
0x1c: {  	s9 =	simm.s32 $0x40  }
.LBB2_2:
0x1d: {  	p0 =	sne.s32 s9, $0x9FC0  }
.Ltmp0:
0x1e: {  	_ = 	snop;
	(pc) =	sbr.rel @p0 .LBB2_2-.Ltmp0, $4  }
0x1f: {  	_ = 	snop  }
0x20: {  	s10 =	sshra.s32 s9, $0x2;
	s9 =	sadd.s32 $0x40, s9;
	v1 =	vshll.u32 v0, $0x1  }
0x21: {  	v0 =	vld [tilespmem:s10+$0x0];
	[tilespmem:s2+$0x2800] =	vst v1;
	v1 =	vor.u32 $0x1, v1  }
0x22: {  	[tilespmem:s2+$0x5000] =	vst v1;
	s2 =	smov.u32 s10  }
0x23: {  	_ =	sdelay $0x2  }
0x24: {  	v0 =	vshll.u32 v0, $0x1  }
0x25: {  	[tilespmem:s2+$0x2800] =	vst v0;
	v0 =	vor.u32 $0x1, v0  }
0x26: {  	s11 =	simm.s32 $0x2800;
	[tilespmem:s2+$0x5000] =	vst v0  }
0x27: {  	[tilespmem:s20], [sflag:$0x1] =	stream.indirect.gather [hbm4b:s5+s18], $0x20, s11, s18, $0xb8;
	[tilespmem:$0xF800] =	vst v63  }
0x28: {  	s12 =	simm.s32 $0x5000  }
0x29: {  	[tilespmem:s22], [sflag:$0x1] =	stream.indirect.gather [hbm4b:s5+s18], $0x20, s12, s18, $0xb8;
	[tilespmem:$0xF800] =	vst v63  }
0x2a: {  	s19 =	simm.s32 $0x2880  }
0x2b: {  	[tilespmem:s24], [sflag:$0x1] =	stream.indirect.gather [hbm4b:s5+s18], $0x20, s19, s18, $0xb8;
	[tilespmem:$0xF800] =	vst v63  }
0x2c: {  	s23 =	simm.s32 $0x5080  }
0x2d: {  	[tilespmem:s26], [sflag:$0x1] =	stream.indirect.gather [hbm4b:s5+s18], $0x20, s23, s18, $0xb8;
	[tilespmem:$0xF800] =	vst v63  }
0x2e: {  	s9 =	simm.s32 $0x2900  }
0x2f: {  	[tilespmem:s29], [sflag:$0x1] =	stream.indirect.gather [hbm4b:s5+s18], $0x20, s9, s18, $0xb8;
	[tilespmem:$0xF800] =	vst v63  }
0x30: {  	_ =	swait.ge [sflag:s30], $0x1000  }
0x31: {  	[sflag:s30] =	ssyncset.done $0x0  }
0x32: {  	[sflag:s30] =	ssyncadd.s32 $0xFFFFF000  }
0x33: {  	[hbm4b:s8+s31] =	stream.strided.scatter [tilespmem:s20], [sflag:$0x2], $0x1000, s1, s31, $0x38;
	[tilespmem:$0xF800] =	vst v63  }
0x34: {  	s10 =	simm.s32 $0x5100  }
0x35: {  	[tilespmem:s3], [sflag:$0x1] =	stream.indirect.gather [hbm4b:s5+s18], $0x20, s10, s18, $0xb8;
	[tilespmem:$0xF800] =	vst v63  }
0x36: {  	_ =	swait.ge [sflag:s30], $0x1000  }
0x37: {  	[sflag:s30] =	ssyncset.done $0x0  }
0x38: {  	s11 =	rddreg [dreg:$0x8];
	[sflag:s30] =	ssyncadd.s32 $0xFFFFF000  }
0x39: {  	[hbm4b:s11+s31] =	stream.strided.scatter [tilespmem:s22], [sflag:$0x2], $0x1000, s1, s31, $0x38;
	[tilespmem:$0xF800] =	vst v63  }
0x3a: {  	s12 =	simm.s32 $0x2980  }
0x3b: {  	[tilespmem:s21], [sflag:$0x1] =	stream.indirect.gather [hbm4b:s5+s18], $0x20, s12, s18, $0xb8;
	[tilespmem:$0xF800] =	vst v63  }
0x3c: {  	_ =	swait.ge [sflag:s30], $0x1000  }
0x3d: {  	[sflag:s30] =	ssyncset.done $0x0  }
0x3e: {  	s19 =	rddreg [dreg:$0x9];
	[sflag:s30] =	ssyncadd.s32 $0xFFFFF000  }
0x3f: {  	[hbm4b:s19+s31] =	stream.strided.scatter [tilespmem:s24], [sflag:$0x2], $0x1000, s1, s31, $0x38;
	[tilespmem:$0xF800] =	vst v63  }
0x40: {  	s23 =	simm.s32 $0x5180  }
0x41: {  	[tilespmem:s25], [sflag:$0x1] =	stream.indirect.gather [hbm4b:s5+s18], $0x20, s23, s18, $0xb8;
	[tilespmem:$0xF800] =	vst v63  }
0x42: {  	_ =	swait.ge [sflag:s30], $0x1000  }
0x43: {  	[sflag:s30] =	ssyncset.done $0x0  }
0x44: {  	s9 =	rddreg [dreg:$0xa];
	[sflag:s30] =	ssyncadd.s32 $0xFFFFF000  }
0x45: {  	[hbm4b:s9+s31] =	stream.strided.scatter [tilespmem:s26], [sflag:$0x2], $0x1000, s1, s31, $0x38;
	[tilespmem:$0xF800] =	vst v63  }
0x46: {  	_ =	swait.ge [sflag:s28], $0x1000  }
0x47: {  	s11 =	simm.s32 $0x5;
	[sflag:s28] =	ssyncset.done $0x0  }
0x48: {  	s10 =	simm.s32 $0x2A00;
	s2 =	sand.u32 $0x8000, s11;
	[sflag:s28] =	ssyncadd.s32 $0xFFFFF000  }
0x49: {  	[tilespmem:s20], [sflag:$0x1] =	stream.indirect.gather [hbm4b:s5+s18], $0x20, s10, s18, $0xb8;
	[tilespmem:$0xF800] =	vst v63  }
0x4a: {  	s2 =	sshrl.u32 s2, $0xF;
	_ =	swait.ge [sflag:s30], $0x1000  }
0x4b: {  	s2 =	sadd.s32 $0x5, s2;
	s9 =	rddreg [dreg:$0x4];
	[sflag:s30] =	ssyncset.done $0x0  }
0x4c: {  	s2 =	sshll.u32 s2, $0x10;
	[sflag:s30] =	ssyncadd.s32 $0xFFFFF000;
	s9 =	sadd.s32 s6, s9  }
0x4d: {  	[hbm4b:s9+s31] =	stream.strided.scatter [tilespmem:s29], [sflag:$0x2], $0x1000, s1, s31, $0x38;
	[tilespmem:$0xF800] =	vst v63  }
0x4e: {  	s2 =	sshra.s32 s2, $0x11;
	_ =	swait.ge [sflag:s28], $0x1000  }
0x4f: {  	s2 =	sadd.s32 $0x0, s2;
	[sflag:s28] =	ssyncset.done $0x0  }
0x50: {  	s12 =	simm.s32 $0x5200;
	s2 =	sshll.u32 s2, $0xD;
	[sflag:s28] =	ssyncadd.s32 $0xFFFFF000  }
0x51: {  	[tilespmem:s22], [sflag:$0x1] =	stream.indirect.gather [hbm4b:s5+s18], $0x20, s12, s18, $0xb8;
	[tilespmem:$0xF800] =	vst v63  }
0x52: {  	s2 =	sadd.s32 s4, s2;
	_ =	swait.ge [sflag:s30], $0x1000  }
0x53: {  	s2 =	sshrl.u32 s2, $0x3;
	[sflag:s30] =	ssyncset.done $0x0  }
0x54: {  	s2 =	sadd.s32 s2, s7;
	[sflag:s30] =	ssyncadd.s32 $0xFFFFF000  }
0x55: {  	[hbm4b:s2+s31] =	stream.strided.scatter [tilespmem:s3], [sflag:$0x2], $0x1000, s1, s31, $0x38;
	[tilespmem:$0xF800] =	vst v63  }
0x56: {  	_ =	swait.ge [sflag:s28], $0x1000  }
0x57: {  	[sflag:s28] =	ssyncset.done $0x0  }
0x58: {  	s19 =	simm.s32 $0x2A80;
	[sflag:s28] =	ssyncadd.s32 $0xFFFFF000  }
0x59: {  	[tilespmem:s24], [sflag:$0x1] =	stream.indirect.gather [hbm4b:s5+s18], $0x20, s19, s18, $0xb8;
	[tilespmem:$0xF800] =	vst v63  }
0x5a: {  	s19 =	simm.s32 $0x7  }
0x5b: {  	_ =	swait.ge [sflag:s30], $0x1000;
	s10 =	sand.u32 $0x8000, s19  }
0x5c: {  	s23 =	rddreg [dreg:$0x3];
	[sflag:s30] =	ssyncset.done $0x0;
	s9 =	sshrl.u32 s10, $0xF  }
0x5d: {  	[sflag:s30] =	ssyncadd.s32 $0xFFFFF000;
	s2 =	sadd.s32 s6, s23;
	s9 =	sadd.s32 $0x7, s9  }
0x5e: {  	[hbm4b:s2+s31] =	stream.strided.scatter [tilespmem:s21], [sflag:$0x2], $0x1000, s1, s31, $0x38;
	[tilespmem:$0xF800] =	vst v63  }
0x5f: {  	s11 =	sshll.u32 s9, $0x10  }
0x60: {  	_ =	swait.ge [sflag:s28], $0x1000;
	s2 =	sshra.s32 s11, $0x11  }
0x61: {  	[sflag:s28] =	ssyncset.done $0x0;
	s2 =	sadd.s32 $0x0, s2  }
0x62: {  	s12 =	simm.s32 $0x5280;
	[sflag:s28] =	ssyncadd.s32 $0xFFFFF000;
	s2 =	sshll.u32 s2, $0xD  }
0x63: {  	[tilespmem:s26], [sflag:$0x1] =	stream.indirect.gather [hbm4b:s5+s18], $0x20, s12, s18, $0xb8;
	[tilespmem:$0xF800] =	vst v63  }
0x64: {  	s2 =	sadd.s32 s4, s2;
	_ =	swait.ge [sflag:s30], $0x1000  }
0x65: {  	s2 =	sshrl.u32 s2, $0x3;
	[sflag:s30] =	ssyncset.done $0x0  }
0x66: {  	s2 =	sadd.s32 s2, s7;
	[sflag:s30] =	ssyncadd.s32 $0xFFFFF000  }
0x67: {  	[hbm4b:s2+s31] =	stream.strided.scatter [tilespmem:s25], [sflag:$0x2], $0x1000, s1, s31, $0x38;
	[tilespmem:$0xF800] =	vst v63  }
0x68: {  	_ =	swait.ge [sflag:s28], $0x1000  }
0x69: {  	[sflag:s28] =	ssyncset.done $0x0  }
0x6a: {  	s23 =	simm.s32 $0x2B00;
	[sflag:s28] =	ssyncadd.s32 $0xFFFFF000  }
0x6b: {  	[tilespmem:s29], [sflag:$0x1] =	stream.indirect.gather [hbm4b:s5+s18], $0x20, s23, s18, $0xb8;
	[tilespmem:$0xF800] =	vst v63  }
0x6c: {  	_ =	swait.ge [sflag:s30], $0x1000  }
0x6d: {  	s9 =	rddreg [dreg:$0x6];
	[sflag:s30] =	ssyncset.done $0x0  }
0x6e: {  	[sflag:s30] =	ssyncadd.s32 $0xFFFFF000;
	s2 =	sadd.s32 s6, s9  }
0x6f: {  	[hbm4b:s2+s31] =	stream.strided.scatter [tilespmem:s20], [sflag:$0x2], $0x1000, s1, s31, $0x38;
	[tilespmem:$0xF800] =	vst v63  }
0x70: {  	_ =	swait.ge [sflag:s28], $0x1000  }
0x71: {  	[sflag:s28] =	ssyncset.done $0x0  }
0x72: {  	s10 =	simm.s32 $0x5300;
	[sflag:s28] =	ssyncadd.s32 $0xFFFFF000  }
0x73: {  	[tilespmem:s3], [sflag:$0x1] =	stream.indirect.gather [hbm4b:s5+s18], $0x20, s10, s18, $0xb8;
	[tilespmem:$0xF800] =	vst v63  }
0x74: {  	_ =	swait.ge [sflag:s30], $0x1000  }
0x75: {  	[sflag:s30] =	ssyncset.done $0x0  }
0x76: {  	s2 =	sadd.s32 $0x4, s2;
	[sflag:s30] =	ssyncadd.s32 $0xFFFFF000  }
0x77: {  	[hbm4b:s2+s31] =	stream.strided.scatter [tilespmem:s22], [sflag:$0x2], $0x1000, s1, s31, $0x38;
	[tilespmem:$0xF800] =	vst v63  }
0x78: {  	_ =	swait.ge [sflag:s28], $0x1000  }
0x79: {  	[sflag:s28] =	ssyncset.done $0x0  }
0x7a: {  	s11 =	simm.s32 $0x2B80;
	[sflag:s28] =	ssyncadd.s32 $0xFFFFF000  }
0x7b: {  	[tilespmem:s21], [sflag:$0x1] =	stream.indirect.gather [hbm4b:s5+s18], $0x20, s11, s18, $0xb8;
	[tilespmem:$0xF800] =	vst v63  }
0x7c: {  	_ =	swait.ge [sflag:s30], $0x1000  }
0x7d: {  	s12 =	rddreg [dreg:$0x5];
	[sflag:s30] =	ssyncset.done $0x0  }
0x7e: {  	[sflag:s30] =	ssyncadd.s32 $0xFFFFF000;
	s10 =	sadd.s32 s6, s12  }
0x7f: {  	[hbm4b:s10+s31] =	stream.strided.scatter [tilespmem:s24], [sflag:$0x2], $0x1000, s1, s31, $0x38;
	[tilespmem:$0xF800] =	vst v63  }
0x80: {  	_ =	swait.ge [sflag:s28], $0x1000  }
0x81: {  	[sflag:s28] =	ssyncset.done $0x0  }
0x82: {  	s23 =	simm.s32 $0x5380;
	[sflag:s28] =	ssyncadd.s32 $0xFFFFF000  }
0x83: {  	[tilespmem:s25], [sflag:$0x1] =	stream.indirect.gather [hbm4b:s5+s18], $0x20, s23, s18, $0xb8;
	[tilespmem:$0xF800] =	vst v63  }
0x84: {  	s2 =	smov.u32 s6;
	s23 =	simm.s32 $0x800  }
.LBB2_4:
0x85: {  	_ =	swait.ge [sflag:s30], $0x1000  }
0x86: {  	[sflag:s30] =	ssyncset.done $0x0  }
0x87: {  	s10 =	sadd.s32 $0x4, s10;
	[sflag:s30] =	ssyncadd.s32 $0xFFFFF000  }
0x88: {  	[hbm4b:s10+s31] =	stream.strided.scatter [tilespmem:s26], [sflag:$0x2], $0x1000, s1, s31, $0x38;
	[tilespmem:$0xF800] =	vst v63  }
0x89: {  	_ =	swait.ge [sflag:s28], $0x1000  }
0x8a: {  	s19 =	sadd.s32 $0x8, s19;
	s9 =	sshra.s32 s23, $0x2;
	[sflag:s28] =	ssyncset.done $0x0  }
0x8b: {  	s12 =	sadd.s32 $0x2A00, s9;
	s10 =	sadd.s32 $0xFFFFFFFE, s19;
	[sflag:s28] =	ssyncadd.s32 $0xFFFFF000  }
0x8c: {  	[tilespmem:s20], [sflag:$0x1] =	stream.indirect.gather [hbm4b:s5+s18], $0x20, s12, s18, $0xb8;
	[tilespmem:$0xF800] =	vst v63  }
0x8d: {  	s12 =	sand.u32 $0x8000, s10  }
0x8e: {  	s2 =	sadd.s32 $0x1000, s2;
	_ =	swait.ge [sflag:s30], $0x1000;
	s12 =	sshrl.u32 s12, $0xF  }
0x8f: {  	[sflag:s30] =	ssyncset.done $0x0;
	s11 =	rddreg [dreg:$0x4];
	s12 =	sadd.s32 s12, s10  }
0x90: {  	[sflag:s30] =	ssyncadd.s32 $0xFFFFF000;
	s11 =	sadd.s32 s2, s11;
	s12 =	sshll.u32 s12, $0x10  }
0x91: {  	[hbm4b:s11+s31] =	stream.strided.scatter [tilespmem:s29], [sflag:$0x2], $0x1000, s1, s31, $0x38;
	[tilespmem:$0xF800] =	vst v63  }
0x92: {  	s10 =	sshra.s32 s10, $0x1F;
	s11 =	sshra.s32 s12, $0x11;
	_ =	swait.ge [sflag:s28], $0x1000  }
0x93: {  	s10 =	sadd.s32 s11, s10;
	[sflag:s28] =	ssyncset.done $0x0  }
0x94: {  	s12 =	sadd.s32 $0x5200, s9;
	s10 =	sshll.u32 s10, $0xD;
	[sflag:s28] =	ssyncadd.s32 $0xFFFFF000  }
0x95: {  	[tilespmem:s22], [sflag:$0x1] =	stream.indirect.gather [hbm4b:s5+s18], $0x20, s12, s18, $0xb8;
	[tilespmem:$0xF800] =	vst v63  }
0x96: {  	s10 =	sadd.s32 s4, s10;
	_ =	swait.ge [sflag:s30], $0x1000  }
0x97: {  	s10 =	sshrl.u32 s10, $0x3;
	[sflag:s30] =	ssyncset.done $0x0  }
0x98: {  	s10 =	sadd.s32 s10, s7;
	[sflag:s30] =	ssyncadd.s32 $0xFFFFF000  }
0x99: {  	[hbm4b:s10+s31] =	stream.strided.scatter [tilespmem:s3], [sflag:$0x2], $0x1000, s1, s31, $0x38;
	[tilespmem:$0xF800] =	vst v63  }
0x9a: {  	_ =	swait.ge [sflag:s28], $0x1000  }
0x9b: {  	[sflag:s28] =	ssyncset.done $0x0  }
0x9c: {  	s11 =	sadd.s32 $0x2A80, s9;
	s12 =	sand.u32 $0x8000, s19;
	[sflag:s28] =	ssyncadd.s32 $0xFFFFF000  }
0x9d: {  	[tilespmem:s24], [sflag:$0x1] =	stream.indirect.gather [hbm4b:s5+s18], $0x20, s11, s18, $0xb8;
	[tilespmem:$0xF800] =	vst v63  }
0x9e: {  	s11 =	sshrl.u32 s12, $0xF;
	_ =	swait.ge [sflag:s30], $0x1000  }
0x9f: {  	s11 =	sadd.s32 s11, s19;
	s10 =	rddreg [dreg:$0x3];
	[sflag:s30] =	ssyncset.done $0x0  }
0xa0: {  	s11 =	sshll.u32 s11, $0x10;
	[sflag:s30] =	ssyncadd.s32 $0xFFFFF000;
	s10 =	sadd.s32 s2, s10  }
0xa1: {  	[hbm4b:s10+s31] =	stream.strided.scatter [tilespmem:s21], [sflag:$0x2], $0x1000, s1, s31, $0x38;
	[tilespmem:$0xF800] =	vst v63  }
0xa2: {  	s10 =	sshra.s32 s11, $0x11;
	s11 =	sshra.s32 s19, $0x1F;
	_ =	swait.ge [sflag:s28], $0x1000  }
0xa3: {  	s10 =	sadd.s32 s10, s11;
	[sflag:s28] =	ssyncset.done $0x0  }
0xa4: {  	s12 =	sadd.s32 $0x5280, s9;
	s10 =	sshll.u32 s10, $0xD;
	[sflag:s28] =	ssyncadd.s32 $0xFFFFF000  }
0xa5: {  	[tilespmem:s26], [sflag:$0x1] =	stream.indirect.gather [hbm4b:s5+s18], $0x20, s12, s18, $0xb8;
	[tilespmem:$0xF800] =	vst v63  }
0xa6: {  	s10 =	sadd.s32 s4, s10;
	_ =	swait.ge [sflag:s30], $0x1000  }
0xa7: {  	s10 =	sshrl.u32 s10, $0x3;
	[sflag:s30] =	ssyncset.done $0x0  }
0xa8: {  	s10 =	sadd.s32 s10, s7;
	[sflag:s30] =	ssyncadd.s32 $0xFFFFF000  }
0xa9: {  	[hbm4b:s10+s31] =	stream.strided.scatter [tilespmem:s25], [sflag:$0x2], $0x1000, s1, s31, $0x38;
	[tilespmem:$0xF800] =	vst v63  }
0xaa: {  	_ =	swait.ge [sflag:s28], $0x1000  }
0xab: {  	[sflag:s28] =	ssyncset.done $0x0  }
0xac: {  	s12 =	sadd.s32 $0x2B00, s9;
	[sflag:s28] =	ssyncadd.s32 $0xFFFFF000  }
0xad: {  	[tilespmem:s29], [sflag:$0x1] =	stream.indirect.gather [hbm4b:s5+s18], $0x20, s12, s18, $0xb8;
	[tilespmem:$0xF800] =	vst v63  }
0xae: {  	_ =	swait.ge [sflag:s30], $0x1000  }
0xaf: {  	s11 =	rddreg [dreg:$0x6];
	[sflag:s30] =	ssyncset.done $0x0  }
0xb0: {  	[sflag:s30] =	ssyncadd.s32 $0xFFFFF000;
	s10 =	sadd.s32 s2, s11  }
0xb1: {  	[hbm4b:s10+s31] =	stream.strided.scatter [tilespmem:s20], [sflag:$0x2], $0x1000, s1, s31, $0x38;
	[tilespmem:$0xF800] =	vst v63  }
0xb2: {  	_ =	swait.ge [sflag:s28], $0x1000  }
0xb3: {  	[sflag:s28] =	ssyncset.done $0x0  }
0xb4: {  	s12 =	sadd.s32 $0x5300, s9;
	[sflag:s28] =	ssyncadd.s32 $0xFFFFF000  }
0xb5: {  	[tilespmem:s3], [sflag:$0x1] =	stream.indirect.gather [hbm4b:s5+s18], $0x20, s12, s18, $0xb8;
	[tilespmem:$0xF800] =	vst v63  }
0xb6: {  	_ =	swait.ge [sflag:s30], $0x1000  }
0xb7: {  	[sflag:s30] =	ssyncset.done $0x0  }
0xb8: {  	s10 =	sadd.s32 $0x4, s10;
	[sflag:s30] =	ssyncadd.s32 $0xFFFFF000  }
0xb9: {  	[hbm4b:s10+s31] =	stream.strided.scatter [tilespmem:s22], [sflag:$0x2], $0x1000, s1, s31, $0x38;
	[tilespmem:$0xF800] =	vst v63  }
0xba: {  	_ =	swait.ge [sflag:s28], $0x1000  }
0xbb: {  	[sflag:s28] =	ssyncset.done $0x0  }
0xbc: {  	s11 =	sadd.s32 $0x2B80, s9;
	[sflag:s28] =	ssyncadd.s32 $0xFFFFF000  }
0xbd: {  	[tilespmem:s21], [sflag:$0x1] =	stream.indirect.gather [hbm4b:s5+s18], $0x20, s11, s18, $0xb8;
	[tilespmem:$0xF800] =	vst v63  }
0xbe: {  	_ =	swait.ge [sflag:s30], $0x1000  }
0xbf: {  	s12 =	rddreg [dreg:$0x5];
	[sflag:s30] =	ssyncset.done $0x0  }
0xc0: {  	p0 =	sne.s32 s23, $0x9000;
	[sflag:s30] =	ssyncadd.s32 $0xFFFFF000;
	s10 =	sadd.s32 s2, s12  }
0xc1: {  	[hbm4b:s10+s31] =	stream.strided.scatter [tilespmem:s24], [sflag:$0x2], $0x1000, s1, s31, $0x38;
	[tilespmem:$0xF800] =	vst v63  }
.Ltmp1:
0xc2: {  	_ = 	snop;
	(pc) =	sbr.rel @p0 .LBB2_4-.Ltmp1, $4  }
0xc3: {  	_ =	swait.ge [sflag:s28], $0x1000  }
0xc4: {  	[sflag:s28] =	ssyncset.done $0x0  }
0xc5: {  	s23 =	sadd.s32 $0x800, s23;
	s9 =	sadd.s32 $0x5380, s9;
	[sflag:s28] =	ssyncadd.s32 $0xFFFFF000  }
0xc6: {  	[tilespmem:s25], [sflag:$0x1] =	stream.indirect.gather [hbm4b:s5+s18], $0x20, s9, s18, $0xb8;
	[tilespmem:$0xF800] =	vst v63  }
0xc7: {  	_ =	swait.ge [sflag:s30], $0x1000  }
0xc8: {  	[sflag:s30] =	ssyncset.done $0x0  }
0xc9: {  	s2 =	sadd.s32 $0x4, s10;
	[sflag:s30] =	ssyncadd.s32 $0xFFFFF000  }
0xca: {  	[hbm4b:s2+s31] =	stream.strided.scatter [tilespmem:s26], [sflag:$0x2], $0x1000, s1, s31, $0x38;
	[tilespmem:$0xF800] =	vst v63  }
0xcb: {  	_ =	swait.ge [sflag:s30], $0x1000  }
0xcc: {  	[sflag:s30] =	ssyncset.done $0x0  }
0xcd: {  	s23 =	rddreg [dreg:$0xb];
	[sflag:s30] =	ssyncadd.s32 $0xFFFFF000  }
0xce: {  	[hbm4b:s23+s31] =	stream.strided.scatter [tilespmem:s29], [sflag:$0x2], $0x1000, s1, s31, $0x38;
	[tilespmem:$0xF800] =	vst v63  }
0xcf: {  	_ =	swait.ge [sflag:s30], $0x1000  }
0xd0: {  	[sflag:s30] =	ssyncset.done $0x0  }
0xd1: {  	[sflag:s30] =	ssyncadd.s32 $0xFFFFF000  }
0xd2: {  	[hbm4b:s13+s31] =	stream.strided.scatter [tilespmem:s3], [sflag:$0x2], $0x1000, s1, s31, $0x38;
	[tilespmem:$0xF800] =	vst v63  }
0xd3: {  	_ =	swait.ge [sflag:s30], $0x1000  }
0xd4: {  	[sflag:s30] =	ssyncset.done $0x0  }
0xd5: {  	[sflag:s30] =	ssyncadd.s32 $0xFFFFF000  }
0xd6: {  	[hbm4b:s14+s31] =	stream.strided.scatter [tilespmem:s21], [sflag:$0x2], $0x1000, s1, s31, $0x38;
	[tilespmem:$0xF800] =	vst v63  }
0xd7: {  	_ =	swait.ge [sflag:s30], $0x1000  }
0xd8: {  	[sflag:s30] =	ssyncset.done $0x0  }
0xd9: {  	[sflag:s30] =	ssyncadd.s32 $0xFFFFF000  }
0xda: {  	[hbm4b:s15+s31] =	stream.strided.scatter [tilespmem:s25], [sflag:$0x2], $0x1000, s1, s31, $0x38;
	[tilespmem:$0xF800] =	vst v63  }
0xdb: {  	_ =	swait.ge [sflag:s28], $0x1000  }
0xdc: {  	[sflag:s28] =	ssyncset.done $0x0  }
0xdd: {  	[sflag:s28] =	ssyncadd.s32 $0xFFFFF000  }
0xde: {  	_ =	swait.ge [sflag:s28], $0x1000  }
0xdf: {  	[sflag:s28] =	ssyncset.done $0x0  }
0xe0: {  	[sflag:s28] =	ssyncadd.s32 $0xFFFFF000  }
0xe1: {  	_ =	swait.ge [sflag:s28], $0x1000  }
0xe2: {  	[sflag:s28] =	ssyncset.done $0x0  }
0xe3: {  	[sflag:s28] =	ssyncadd.s32 $0xFFFFF000  }
0xe4: {  	_ =	swait.ge [sflag:s28], $0x1000  }
0xe5: {  	[sflag:s28] =	ssyncset.done $0x0  }
0xe6: {  	[sflag:s28] =	ssyncadd.s32 $0xFFFFF000  }
0xe7: {  	_ =	swait.ge [sflag:s28], $0x1000  }
0xe8: {  	[sflag:s28] =	ssyncset.done $0x0  }
0xe9: {  	[sflag:s28] =	ssyncadd.s32 $0xFFFFF000  }
0xea: {  	_ =	swait.ge [sflag:s28], $0x1000  }
0xeb: {  	[sflag:s28] =	ssyncset.done $0x0  }
0xec: {  	s0 =	sadd.s32 $0x1, s0;
	[sflag:s28] =	ssyncadd.s32 $0xFFFFF000  }
0xed: {  	p0 =	sne.s32 s0, s16;
	_ =	swait.ge [sflag:s28], $0x1000  }
.Ltmp2:
0xee: {  	[sflag:s28] =	ssyncset.done $0x0;
	(pc) =	sbr.rel @p0 .LBB2_1-.Ltmp2, $4  }
0xef: {  	[sflag:s28] =	ssyncadd.s32 $0xFFFFF000  }
0xf0: {  	_ =	swait.ge [sflag:s28], $0x1000  }
0xf1: {  	[sflag:s28] =	ssyncset.done $0x0  }
0xf2: {  	[sflag:s28] =	ssyncadd.s32 $0xFFFFF000  }
0xf3: {  	_ =	sfence.sel $0x180000  }
0xf4: {  	[bflag:$0x0] =	sbarrier.arrive $0xFFFF  }
0xf5: {  	_ =	strace $0x90000047  }
0xf6: {  	s0 =	stileid.u32;
	[bflag:$0x2] =	sbarrier.arrive $0xFFFF  }
0xf7: {  	p0 =	sne.s32 s0, $0x0;
	s0 =	rddreg [dreg:$0x2]  }
0xf8: {  	s0 =	sadd.s32 @!p0 $0x100000, s0  }
0xf9: {  	[sflag:s0] =	ssyncadd.tile.s32 @!p0 $0x1;
	_ =	shalt  }
.Lfunc_end2:
_tile_overlayer_lowered:
.L_overlay_start_2:
0xfa: {  	(tag) =	ssettag $0x2  }
0xfb: {  	s0 =	rddreg [dreg:$0x0];
	s2 =	stileid.u32  }
0xfc: {  	s1 =	rddreg [dreg:$0x1];
	p0 =	sne.s32 s2, $0x0  }
0xfd: {  	s3 =	rddreg [dreg:$0x2];
	[bflag:$0x3] =	sbarrier.arrive $0xFFFF;
	s2 =	simm.s32 @!p0 $0x1C03  }
0xfe: {  	[timem:s3], [sflag:s2] =	dma.local @!p0 [hbm:s0], s1  }
0xff: {  	s0 =	simm.s32 @!p0 $0x3  }
0x100: {  	_ =	swait.ge @!p0 [sflag:s0], s1  }
0x101: {  	s1 =	ssub.s32 @!p0 $0x0, s1;
	[sflag:s0] =	ssyncset.done @!p0 $0x0  }
0x102: {  	[sflag:s0] =	ssyncadd.s32 @!p0 s1  }
0x103: {  	[bflag:$0x3] =	sbarrier.arrive $0xFFFF  }
0x104: {  	_ =	shalt  }

// kernel: sparse-core-data-format-call.cloned.1.call-start
scs
called_computation_lowered:
.L_overlay_start_0:
0x0: {  	s2 =	sld [smem:$0x3FD9]  }
0x1: {  	s3 =	sld [smem:$0x3FFE];
	_ =	sdelay $0x1  }
0x2: {  	s1 =	srdreg.scid  }
0x3: {  	s0 =	sand.u32 $0x1, s1  }
0x4: {  	s18 =	sshll.u32 s0, $0xA;
	s2 =	sadd.s32 s3, s2  }
0x5: {  	s2 =	sadd.s32 s2, s18  }
0x6: {  	[smem:$0x3FC6] =	sst s2  }
0x7: {  	_ = 	snop  }
0x8: {  	s2 =	sld [smem:$0x3FD0];
	(tm) =	ssettm $0x1  }
0x9: {  	s19 =	sld [smem:$0x3FFB];
	_ =	sdelay $0x3  }
0xa: {  	_ =	strace s19  }
0xb: {  	s3 =	sld [smem:$0x3FFC];
	_ =	sdelay $0x3  }
0xc: {  	_ =	strace s3  }
0xd: {  	s3 =	sld [smem:$0x3FFD];
	_ =	sdelay $0x3  }
0xe: {  	_ =	strace s3  }
0xf: {  	_ =	strace $0x8FFFFFFF  }
0x10: {  	s20 =	sld [smem:$0x3FDB];
	_ =	sdelay $0x1  }
0x11: {  	s4 =	simm.s32 $_scs_section_size  }
0x12: {  	s5 =	simm.s32 $_size__tile_overlayer_lowered;
	s6 =	simm.s32 $_tile_overlayer_lowered  }
0x13: {  	s23 =	simm.s32 $0x1BFF;
	s22 =	sshll.u32 s6, $0x1;
	s3 =	sadd.s32 s4, s20  }
0x14: {  	s7 =	simm.s32 $0x0;
	s21 =	sshll.u32 s5, $0x1;
	s5 =	sadd.s32 s22, s3  }
0x15: {  	[timem:s7], [sflag:s23] =	dma.local [hbm:s5], s21  }
0x16: {  	_ =	swait.ge [sflag:s23], s21  }
0x17: {  	s4 =	ssub.s32 $0x0, s21;
	[sflag:s23] =	ssyncset.done $0x0  }
0x18: {  	[sflag:s23] =	ssyncadd.s32 s4;
	_ =	sdelay $0x1  }
0x19: {  	s24 =	simm.s32 $0x1B8B  }
0x1a: {  	_ =	swait.ge [sflag:s24], $0x1  }
0x1b: {  	[sflag:s24] =	ssyncset.done $0x0  }
0x1c: {  	s26 =	simm.s32 $0x1B8E;
	s25 =	sld [smem:$0x3FFE];
	[sflag:s24] =	ssyncadd.s32 $0xFFFFFFFF  }
0x1d: {  	s27 =	simm.s32 $execute0_lowered;
	[smem:$0x3FD2] =	sst s26  }
0x1e: {  	s5 =	sshll.u32 s27, $0x1;
	_ =	strace $0x80000049;
	[dreg:$0x1] =	wrdreg $0xFFFFFFFF  }
0x1f: {  	s28 =	simm.s32 $_size_execute0_lowered;
	s3 =	sadd.s32 s3, s5;
	[dreg:$0x0] =	wrdreg $0x0  }
0x20: {  	s5 =	sshll.u32 s28, $0x1;
	[dreg:$0x2] =	wrdreg s3  }
0x21: {  	[dreg:$0x3] =	wrdreg s5  }
0x22: {  	[dreg:$0x4] =	wrdreg $0xC0  }
0x23: {  	_ =	task [dreg:s7], $0x5FFFF  }
0x24: {  	[dreg:$0x1] =	wrdreg $0xFFFFFFFF  }
0x25: {  	[dreg:$0x0] =	wrdreg $0x60  }
0x26: {  	[dreg:$0x2] =	wrdreg s25  }
0x27: {  	[dreg:$0x3] =	wrdreg s2  }
0x28: {  	[dreg:$0x4] =	wrdreg $0x9  }
0x29: {  	_ =	task.clear_ibuf [dreg:s7], $0x5FFFF;
	_ =	strace $0x90000049  }
0x2a: {  	s29 =	simm.s32 $0x9;
	_ =	strace $0x8000004B  }
0x2b: {  	_ =	swait.ge [sflag:s29], $0x1  }
0x2c: {  	[sflag:s29] =	ssyncadd.s32 $0xFFFFFFFF  }
0x2d: {  	_ =	strace $0x9000004B  }
0x2e: {  	_ =	sfence  }
0x2f: {  	s30 =	sld [smem:$0x0];
	_ =	sdelay $0x2  }
0x30: {  	s31 =	sshll.u32 s1, $0xD;
	s1 =	sshrl.u32 s1, $0x2  }
0x31: {  	s3 =	sand.u32 $0x4000, s31;
	s1 =	sadd.s32 s1, s30  }
0x32: {  	s0 =	sor.u32 s3, s0;
	s1 =	sshll.u32 s1, $0x11  }
0x33: {  	s0 =	sor.u32 s1, s0  }
0x34: {  	s0 =	sadd.s32 $0x8F2B, s0  }
0x35: {  	[sflag:s0] =	ssyncadd.remote.s32 $0x1  }
0x36: {  	_ =	sfence.sel $0xFFFF  }
0x37: {  	[dreg:$0x0] =	wrdreg $0xFFFFFFFF;
	(pc) =	sbr.abs _section_cstart, $3  }
0x38: {  	[dreg:$0x1] =	wrdreg $0xFFFFFFFF  }
0x39: {  	_ =	task.clear_ibuf [dreg:s7], $0x2FFFF;
	_ =	strace $0x9FFFFFFF  }
0x3a: {  	(tm) =	ssettm $0x7FFFFFFF  }
0x3b: {  	_ =	shalt  }
tec
execute0_lowered:
.L_overlay_start_1:
0x0: {  	(tag) =	ssettag $0x1  }
0x1: {  	s0 =	srdreg.scid  }
0x2: {  	s1 =	sshll.u32 s0, $0x4  }
0x3: {  	s0 =	stileid.u32;
	s1 =	sand.u32 $0x10, s1  }
0x4: {  	s1 =	sor.u32 s0, s1  }
0x5: {  	s6 =	rddreg [dreg:$0x0];
	s4 =	simm.s32 $0x1;
	s2 =	sshll.u32 s1, $0x7  }
0x6: {  	s7 =	simm.s32 $0x2;
	s12 =	simm.s32 $0x0;
	s1 =	ssub.s32 $0x4000, s2  }
0x7: {  	s8 =	simm.s32 $0x20000;
	s13 =	simm.s32 $0x0;
	s3 =	sand.u32 $0xF80, s1  }
0x8: {  	s9 =	simm.s32 $0x0;
	s5 =	sshrl.u32 s1, $0xC;
	p0 =	sne.s32 s3, $0x0  }
.Ltmp0:
0x9: {  	s1 =	rddreg [dreg:$0x2];
	s4 =	simm.s32 @!p0 $0x0;
	(pc) =	sbr.rel .LBB1_1-.Ltmp0, $4  }
0xa: {  	s11 =	simm.s32 $0x0;
	s3 =	rddreg [dreg:$0x1];
	s5 =	sadd.s32 s4, s5  }
0xb: {  	_ =	strace $0x8000004A;
	s4 =	simm.s32 $0x1;
	s5 =	smul.u32 $0x14, s5  }
0xc: {  	s6 =	sadd.s32 $0x800, s6;
	s10 =	smov.u32 s2;
	[sflag:s4] =	ssyncpa.u1 $0x0  }
0xd: {  	p0 =	por $0x0, $0x0;
	[sflag:s7] =	ssyncpa.u1 $0x0;
	s7 =	sor.u32 $0x1, s5  }
.LBB1_4:
0xe: {  	s16 =	sshll.u32 s13, $0x3;
	s17 =	sand.u32 $0x78, s13  }
0xf: {  	s30 =	sand.u32 $0x1F800, s13;
	s12 =	sshll.u32 s12, $0x11;
	s16 =	sand.u32 $0x3C00, s16  }
0x10: {  	[tilespmem:s15+$0x810 ss:$0x81] =	vst.msk $0xffff, v2;
	s31 =	sand.u32 $0x7, s13;
	s16 =	sor.u32 s17, s16;
	s17 =	sadd.s32 s3, s30  }
0x11: {  	[tilespmem:s15+$0x1020 ss:$0x81] =	vst.msk $0xffff, v0;
	s13 =	sshll.u32 s31, $0x12;
	s12 =	sadd.s32 s12, s17;
	s16 =	sshrl.u32 s16, $0x3  }
0x12: {  	[tilespmem:s15+$0x0 ss:$0x81] =	vst.msk $0xffff, v1;
	s13 =	sor.u32 $0x400, s13;
	s12 =	sadd.s32 s16, s12  }
0x13: {  	[hbm4b:s12+s13] =	stream.strided.scatter [tilespmem:s14], [sflag:$0x2], $0x2000, s8, s13, $0x20;
	[tilespmem:$0x8080] =	vst v63  }
.LBB1_5:
0x14: {  	s14 =	sadd.s32 $0x1, s9  }
0x15: {  	s12 =	sadd.s32 $0x1000, s10;
	s16 =	smov.u32 s10;
	p2 =	sgt.s32 s14, $0x13  }
0x16: {  	s16 =	smov.u32 @p2 s12  }
0x17: {  	s14 =	simm.s32 @p2 $0x0;
	p2 =	sgt.s32 s16, $0x3FFF  }
0x18: {  	s16 =	smov.u32 @p2 s2;
	p2 =	sne.s32 s11, s7  }
.Ltmp1:
0x19: {  	p1 =	slt.u32 s11, $0x2;
	(pc) =	sbr.rel @!p2 .LBB1_6-.Ltmp1, $4  }
0x1a: {  	s15 =	simm.s32 @!p1 $0x2  }
0x1b: {  	s13 =	smov.u32 s10;
	p0 =	por !p0, !p0;
	_ =	swait.ge @!p1 [sflag:s15], $0x2000  }
0x1c: {  	s12 =	smov.u32 s9;
	[sflag:s15] =	ssyncset.done @!p1 $0x0;
	s9 =	smov.u32 s14  }
0x1d: {  	s11 =	sadd.s32 $0x1, s11;
	[sflag:s15] =	ssyncadd.s32 @!p1 $0xFFFFE000;
	s10 =	smov.u32 s16  }
.LBB1_1:
0x1e: {  	p1 =	sge.u32 s11, s5  }
0x1f: {  	s14 =	sand.u32 @!p1 $0x1FFFFFF, s9  }
0x20: {  	s15 =	smulhi.u32 @!p1 $0xAAAAAAB, s14;
	_ =	sdelay $0x1  }
0x21: {  	s15 =	smul.u32 @!p1 $0x18, s15  }
0x22: {  	s16 =	sxor.u32 @!p1 $0xFFFFFFFF, s11;
	s17 =	smul.u32 @!p1 $0x180, s10  }
0x23: {  	s31 =	sadd.s32 $0xFFFFFFFF, s11;
	s16 =	sshll.u32 @!p1 s16, $0xD;
	s14 =	ssub.s32 @!p1 s14, s15  }
0x24: {  	s15 =	sand.u32 @!p1 $0x2000, s16;
	s16 =	sadd.s32 @!p1 s6, s17;
	s14 =	sshll.u32 @!p1 s14, $0x4  }
0x25: {  	s17 =	simm.s32 @!p1 $0xC00;
	s14 =	sadd.s32 @!p1 s14, s16;
	s16 =	simm.s32 @!p1 $0x40  }
0x26: {  	[tilespmem:s15], [sflag:$0x1] =	stream.strided.gather @!p1 [hbm4b:s14+s16], $0x2000, s17, s16, $0x38;
	[tilespmem:$0x8080] =	vst v63  }
0x27: {  	p1 =	sge.u32 s31, s5  }
.Ltmp2:
0x28: {  	_ = 	snop;
	(pc) =	sbr.rel @p1 .LBB1_5-.Ltmp2, $1  }
0x29: {  	_ =	sdelay $0x3  }
0x2a: {  	s14 =	simm.s32 $0x1  }
0x2b: {  	_ =	swait.ge [sflag:s4], $0x2000;
	s14 =	simm.s32 @!p0 $0x0  }
0x2c: {  	[sflag:s4] =	ssyncset.done $0x0;
	s15 =	sshll.u32 s14, $0xD  }
0x2d: {  	[sflag:s4] =	ssyncadd.s32 $0xFFFFE000;
	s18 =	sor.u32 $0x20, s15  }
0x2e: {  	s14 =	smul.u32 $0x8100, s14;
	v3 =	vld [tilespmem:s18+$0x10]  }
0x2f: {  	s30 =	sand.u32 $0x1, s11;
	v2 =	vld [tilespmem:s18+$0xFFFFFFF0]  }
0x30: {  	s15 =	smul.u32 $0x8100, s30;
	s14 =	sshrl.u32 s14, $0x2;
	v0 =	vld [tilespmem:s18+$0x0]  }
0x31: {  	v1 =	vld [tilespmem:s18+$0xFFFFFFE0];
	s16 =	sor.u32 $0x4000, s14  }
0x32: {  	s31 =	sshrl.u32 s15, $0x2;
	s15 =	sadd.s32 $0x0, s16  }
0x33: {  	s17 =	simm.s32 $0x4;
	s18 =	sadd.s32 $0x40, s18;
	s14 =	sor.u32 $0x4000, s31;
	[tilespmem:s15+$0x1830 ss:$0x81] =	vst.msk $0xffff, v3  }
.LBB1_3:
0x34: {  	v3 =	vld [tilespmem:s18+$0x10];
	p1 =	sne.s32 s17, $0x1FC;
	[tilespmem:s15+$0x810 ss:$0x81] =	vst.msk $0xffff, v2;
	s19 =	smov.u32 s17;
	s17 =	sadd.s32 $0x4, s17  }
.Ltmp3:
0x35: {  	v2 =	vld [tilespmem:s18+$0xFFFFFFF0];
	[tilespmem:s15+$0x1020 ss:$0x81] =	vst.msk $0xffff, v0;
	(pc) =	sbr.rel @p1 .LBB1_3-.Ltmp3, $4  }
0x36: {  	v0 =	vld [tilespmem:s18+$0x0];
	[tilespmem:s15+$0x0 ss:$0x81] =	vst.msk $0xffff, v1  }
0x37: {  	s15 =	sshra.s32 s19, $0x2;
	v1 =	vld [tilespmem:s18+$0xFFFFFFE0]  }
0x38: {  	s15 =	sadd.s32 s15, s16  }
0x39: {  	s18 =	sadd.s32 $0x40, s18;
	[tilespmem:s15+$0x1830 ss:$0x81] =	vst.msk $0xffff, v3  }
.Ltmp4:
0x3a: {  	_ = 	snop;
	(pc) =	sbr.rel .LBB1_4-.Ltmp4, $1  }
0x3b: {  	_ =	sdelay $0x3  }
.LBB1_6:
0x3c: {  	_ =	sfence.sel $0x180000  }
0x3d: {  	s2 =	simm.s32 $0x1;
	[bflag:$0x0] =	sbarrier.arrive $0xFFFF  }
0x3e: {  	s31 =	simm.s32 $0x2;
	[sflag:s2] =	ssyncpa.u1 $0x1  }
0x3f: {  	[sflag:s31] =	ssyncpa.u1 $0x1  }
0x40: {  	p0 =	sne.s32 s0, $0x0;
	_ =	strace $0x9000004A  }
0x41: {  	s0 =	sadd.s32 @!p0 $0x100000, s1;
	[bflag:$0x2] =	sbarrier.arrive $0xFFFF  }
0x42: {  	[sflag:s0] =	ssyncadd.tile.s32 @!p0 $0x1;
	_ =	shalt  }
.Lfunc_end1:
_tile_overlayer_lowered:
.L_overlay_start_2:
0x43: {  	(tag) =	ssettag $0x2  }
0x44: {  	s0 =	rddreg [dreg:$0x0];
	s2 =	stileid.u32  }
0x45: {  	s1 =	rddreg [dreg:$0x1];
	p0 =	sne.s32 s2, $0x0  }
0x46: {  	s3 =	rddreg [dreg:$0x2];
	[bflag:$0x3] =	sbarrier.arrive $0xFFFF;
	s2 =	simm.s32 @!p0 $0x1C01  }
0x47: {  	[timem:s3], [sflag:s2] =	dma.local @!p0 [hbm:s0], s1  }
0x48: {  	s0 =	simm.s32 @!p0 $0x1  }
0x49: {  	_ =	swait.ge @!p0 [sflag:s0], s1  }
0x4a: {  	s1 =	ssub.s32 @!p0 $0x0, s1;
	[sflag:s0] =	ssyncset.done @!p0 $0x0  }
0x4b: {  	[sflag:s0] =	ssyncadd.s32 @!p0 s1  }
0x4c: {  	[bflag:$0x3] =	sbarrier.arrive $0xFFFF  }
0x4d: {  	_ =	shalt  }

</sc_bundles>
